<compile_context>
chip_gen: v7x
topology: tpu7x:2x2x1
jax: 0.10.2.dev20260603
libtpu: 0.0.44.dev20260713+nightly
codegen_flags: <defaults>
</compile_context>

<pallas_src>
import functools

import jax
import jax.numpy as jnp
from jax.experimental import pallas as pl
from jax.experimental.pallas import tpu as pltpu
from jax.experimental.pallas import tpu_sc as plsc

D_M = 1024
D_F = 4096
N_E = 8
N_TOK = 4096
CAP = max(1, int(1.25 * N_TOK / N_E))
SLOTS = N_E * CAP
PAD_ROWS = SLOTS + CAP
CHUNK = 512
DFK = 512
KC = D_F // DFK
SCW = 64


def _route_select_body(x_ref, wrt_ref, ps1_ref, ps2_ref, p1_ref, p2_ref,
                       w1_ref, w2_ref):
    x = x_ref[...]
    wrt = wrt_ref[...]
    logits = jnp.dot(x, wrt, preferred_element_type=jnp.float32)
    m = jnp.max(logits, axis=1, keepdims=True)
    ex = jnp.exp(logits - m)
    probs = ex / jnp.sum(ex, axis=1, keepdims=True)

    iota_e = jax.lax.broadcasted_iota(jnp.int32, (N_TOK, N_E), 1)
    v1 = jnp.max(probs, axis=1, keepdims=True)
    e1 = jnp.min(jnp.where(probs == v1, iota_e, N_E), axis=1, keepdims=True)
    oh1 = iota_e == e1
    probs2 = jnp.where(oh1, -1.0, probs)
    v2 = jnp.max(probs2, axis=1, keepdims=True)
    e2 = jnp.min(jnp.where(probs2 == v2, iota_e, N_E), axis=1, keepdims=True)
    oh2 = iota_e == e2
    denom = v1 + v2 + 1e-6
    w1 = v1 / denom
    w2 = v2 / denom
    wmat = jnp.where(oh1, w1, 0.0) + jnp.where(oh2, w2, 0.0)

    wbits = jax.lax.bitcast_convert_type(wmat, jnp.int32)

    def bs_body(_, carry):
        lo, hi = carry
        mid = (lo + hi) // 2
        cnt = jnp.sum((wbits >= mid).astype(jnp.int32), axis=0, keepdims=True)
        ge = cnt >= CAP
        return jnp.where(ge, mid, lo), jnp.where(ge, hi, mid)

    lo0 = jnp.zeros((1, N_E), jnp.int32)
    hi0 = jnp.full((1, N_E), 0x3F800001, jnp.int32)
    tau, _ = jax.lax.fori_loop(0, 31, bs_body, (lo0, hi0))

    gt = wbits > tau
    eq = (wbits == tau) & (tau > 0)
    n_gt = jnp.sum(gt.astype(jnp.float32), axis=0, keepdims=True)

    r_i = jax.lax.broadcasted_iota(jnp.int32, (CHUNK, CHUNK), 0)
    c_i = jax.lax.broadcasted_iota(jnp.int32, (CHUNK, CHUNK), 1)
    tri = (c_i < r_i).astype(jnp.float32)
    col_base = jax.lax.broadcasted_iota(jnp.int32, (CHUNK, N_E), 1) * CAP

    carry_eq = jnp.zeros((1, N_E), jnp.float32)
    carry_keep = jnp.zeros((1, N_E), jnp.float32)
    for c in range(N_TOK // CHUNK):
        sl = slice(c * CHUNK, (c + 1) * CHUNK)
        eq_c = eq[sl]
        gt_c = gt[sl]
        eq_f = eq_c.astype(jnp.float32)
        pe = jnp.dot(tri, eq_f, preferred_element_type=jnp.float32) + carry_eq
        keep_eq = eq_c & ((n_gt + pe) < CAP)
        keep_c = gt_c | keep_eq
        keep_f = keep_c.astype(jnp.float32)
        pk = jnp.dot(tri, keep_f, preferred_element_type=jnp.float32) + carry_keep
        slot_c = pk.astype(jnp.int32)
        pos_c = jnp.where(keep_c, col_base + slot_c, SLOTS)

        oh1_c = oh1[sl]
        oh2_c = oh2[sl]
        zero = jnp.zeros_like(pos_c)
        ps1_c = jnp.sum(jnp.where(oh1_c, pos_c, zero), axis=1, keepdims=True)
        ps2_c = jnp.sum(jnp.where(oh2_c, pos_c, zero), axis=1, keepdims=True)
        k1_c = ps1_c < SLOTS
        k2_c = ps2_c < SLOTS
        ps1_ref[sl, :] = ps1_c
        ps2_ref[sl, :] = ps2_c
        p1_ref[sl, :] = jnp.where(k1_c, ps1_c, 0)
        p2_ref[sl, :] = jnp.where(k2_c, ps2_c, 0)
        w1_ref[sl, :] = jnp.where(k1_c, w1[sl], 0.0)
        w2_ref[sl, :] = jnp.where(k2_c, w2[sl], 0.0)

        carry_eq = carry_eq + jnp.sum(eq_f, axis=0, keepdims=True)
        carry_keep = carry_keep + jnp.sum(keep_f, axis=0, keepdims=True)


def _ffn_body(xin_ref, wg_ref, wu_ref, wd_ref, y_ref, acc_ref):
    k = pl.program_id(1)
    xin = xin_ref[...]
    xin = jnp.where(xin != xin, 0.0, xin)
    xb = jnp.clip(xin, -1e4, 1e4).astype(jnp.bfloat16)
    wg = wg_ref[0].astype(jnp.bfloat16)
    wu = wu_ref[0].astype(jnp.bfloat16)
    wd = wd_ref[0].astype(jnp.bfloat16)
    gate = jnp.dot(xb, wg, preferred_element_type=jnp.float32)
    up = jnp.dot(xb, wu, preferred_element_type=jnp.float32)
    h = (gate * jax.nn.sigmoid(gate) * up).astype(jnp.bfloat16)
    yc = jnp.dot(h, wd, preferred_element_type=jnp.float32)

    @pl.when(k == 0)
    def _():
        acc_ref[...] = yc

    @pl.when(k != 0)
    def _():
        acc_ref[...] += yc

    @pl.when(k == KC - 1)
    def _():
        y_ref[...] = acc_ref[...]


def _combine_body(g1_ref, g2_ref, w1_ref, w2_ref, o_ref):
    o_ref[...] = w1_ref[...] * g1_ref[...] + w2_ref[...] * g2_ref[...]


def _route_select(x_flat, wrt):
    i32 = jnp.int32
    f32 = jnp.float32
    return pl.pallas_call(
        _route_select_body,
        out_shape=[
            jax.ShapeDtypeStruct((N_TOK, 1), i32),
            jax.ShapeDtypeStruct((N_TOK, 1), i32),
            jax.ShapeDtypeStruct((N_TOK, 1), i32),
            jax.ShapeDtypeStruct((N_TOK, 1), i32),
            jax.ShapeDtypeStruct((N_TOK, 1), f32),
            jax.ShapeDtypeStruct((N_TOK, 1), f32),
        ],
    )(x_flat, wrt)


def _sc_mesh():
    return plsc.VectorSubcoreMesh(core_axis_name="c", subcore_axis_name="s")


D_P = D_M // 2
_N_WORKERS = 32
_PER_W = N_TOK // _N_WORKERS
_J = _PER_W // SCW


def _dispatch(x_flat, i1_flat, i2_flat):
    @pl.kernel(
        out_type=jax.ShapeDtypeStruct((PAD_ROWS, D_M), jnp.float32),
        mesh=_sc_mesh(),
        scratch_types=[
            pltpu.VMEM((SCW,), jnp.int32),
            pltpu.VMEM((SCW,), jnp.int32),
            pltpu.VMEM((SCW, D_M), jnp.float32),
        ],
    )
    def run(x_hbm, i1_hbm, i2_hbm, o_hbm, i1_v, i2_v, rows_v):
        wid = jax.lax.axis_index("s") * 2 + jax.lax.axis_index("c")

        @pl.loop(0, _J)
        def _(j):
            base = wid * _PER_W + j * SCW
            pltpu.sync_copy(x_hbm.at[pl.ds(base, SCW)], rows_v)
            pltpu.sync_copy(i1_hbm.at[pl.ds(base, SCW)], i1_v)
            pltpu.sync_copy(rows_v, o_hbm.at[i1_v])
            pltpu.sync_copy(i2_hbm.at[pl.ds(base, SCW)], i2_v)
            pltpu.sync_copy(rows_v, o_hbm.at[i2_v])

    return run(x_flat, i1_flat, i2_flat)


def _combine_gather(y, i1_flat, i2_flat):
    @pl.kernel(
        out_type=[
            jax.ShapeDtypeStruct((N_TOK, D_M), jnp.float32),
            jax.ShapeDtypeStruct((N_TOK, D_M), jnp.float32),
        ],
        mesh=_sc_mesh(),
        scratch_types=[
            pltpu.VMEM((SCW,), jnp.int32),
            pltpu.VMEM((SCW,), jnp.int32),
            pltpu.VMEM((SCW, D_M), jnp.float32),
        ],
    )
    def run(y_hbm, i1_hbm, i2_hbm, g1_hbm, g2_hbm, i1_v, i2_v, r_v):
        wid = jax.lax.axis_index("s") * 2 + jax.lax.axis_index("c")

        @pl.loop(0, _J)
        def _(j):
            base = wid * _PER_W + j * SCW
            pltpu.sync_copy(i1_hbm.at[pl.ds(base, SCW)], i1_v)
            pltpu.sync_copy(y_hbm.at[i1_v], r_v)
            pltpu.sync_copy(r_v, g1_hbm.at[pl.ds(base, SCW)])
            pltpu.sync_copy(i2_hbm.at[pl.ds(base, SCW)], i2_v)
            pltpu.sync_copy(y_hbm.at[i2_v], r_v)
            pltpu.sync_copy(r_v, g2_hbm.at[pl.ds(base, SCW)])

    return run(y, i1_flat, i2_flat)


def _ffn(exp_in, Wg, Wu, Wd):
    return pl.pallas_call(
        _ffn_body,
        grid=(N_E, KC),
        in_specs=[
            pl.BlockSpec((CAP, D_M), lambda e, k: (e, 0)),
            pl.BlockSpec((1, D_M, DFK), lambda e, k: (e, 0, k)),
            pl.BlockSpec((1, D_M, DFK), lambda e, k: (e, 0, k)),
            pl.BlockSpec((1, DFK, D_M), lambda e, k: (e, k, 0)),
        ],
        out_specs=pl.BlockSpec((CAP, D_M), lambda e, k: (e, 0)),
        out_shape=jax.ShapeDtypeStruct((SLOTS, D_M), jnp.float32),
        scratch_shapes=[pltpu.VMEM((CAP, D_M), jnp.float32)],
        compiler_params=pltpu.CompilerParams(
            dimension_semantics=("parallel", "arbitrary")),
    )(exp_in, Wg, Wu, Wd)


def _combine(g1, g2, w1, w2):
    blk = 512
    return pl.pallas_call(
        _combine_body,
        grid=(N_TOK // blk,),
        in_specs=[
            pl.BlockSpec((blk, D_M), lambda i: (i, 0)),
            pl.BlockSpec((blk, D_M), lambda i: (i, 0)),
            pl.BlockSpec((blk, 1), lambda i: (i, 0)),
            pl.BlockSpec((blk, 1), lambda i: (i, 0)),
        ],
        out_specs=pl.BlockSpec((blk, D_M), lambda i: (i, 0)),
        out_shape=jax.ShapeDtypeStruct((N_TOK, D_M), jnp.float32),
    )(g1, g2, w1, w2)


@jax.jit
def kernel(x, Wr, Wg, Wu, Wd):
    B, L, D = x.shape
    assert (B * L, D) == (N_TOK, D_M)
    x_flat = x.reshape(N_TOK, D_M)
    wrt = Wr.T

    ps1, ps2, p1, p2, w1, w2 = _route_select(x_flat, wrt)

    exp_in = _dispatch(x_flat, ps1.reshape(N_TOK), ps2.reshape(N_TOK))
    y = _ffn(exp_in, Wg, Wu, Wd)
    g1, g2 = _combine_gather(y, p1.reshape(N_TOK), p2.reshape(N_TOK))
    out = _combine(g1, g2, w1, w2)
    return out.reshape(B, L, D)

# --- scband reference (transcript-rebuilt; emitter-appended) ---
"""Pipeline reference for scband-mixture-of-experts-79164837200270 (READ-ONLY COPY).

The authoritative reference and input builder live on the scoring server;
editing this copy changes nothing except your own understanding.
"""

import jax, jax.numpy as jnp
import numpy as np

D_MODEL = 1024
D_FF = 4096
NUM_EXPERTS = 8
NUM_ACTIVE = 2
CAPACITY_FACTOR = 1.25
BATCH = 2
SEQ = 2048


def setup_inputs(seed: int = 0) -> dict:
    key = jax.random.key(seed)
    k1, k2, k3, k4, k5 = jax.random.split(key, 5)
    x = jax.random.normal(k1, (BATCH, SEQ, D_MODEL), dtype=jnp.float32)
    # router: nn.Linear(d_model, num_experts, bias=False), init normal(0, 0.02)
    Wr = jax.random.normal(k2, (NUM_EXPERTS, D_MODEL), dtype=jnp.float32) * 0.02
    s_in = 1.0 / np.sqrt(D_MODEL)
    s_ff = 1.0 / np.sqrt(D_FF)
    # stacked expert weights, stored as (E, in, out) for einsum
    Wg = jax.random.normal(k3, (NUM_EXPERTS, D_MODEL, D_FF), dtype=jnp.float32) * s_in
    Wu = jax.random.normal(k4, (NUM_EXPERTS, D_MODEL, D_FF), dtype=jnp.float32) * s_in
    Wd = jax.random.normal(k5, (NUM_EXPERTS, D_FF, D_MODEL), dtype=jnp.float32) * s_ff
    return {"x": x, "Wr": Wr, "Wg": Wg, "Wu": Wu, "Wd": Wd}


def _moe_forward(x, Wr, Wg, Wu, Wd):
    B, L, D = x.shape
    x_flat = x.reshape(-1, D)
    num_tokens = x_flat.shape[0]
    # router (eval mode: no noise, no z-loss, no aux loss)
    router_logits = x_flat @ Wr.T
    router_probs = jax.nn.softmax(router_logits, axis=-1)
    top_k_probs, top_k_indices = jax.lax.top_k(router_probs, NUM_ACTIVE)
    top_k_weights = top_k_probs / (jnp.sum(top_k_probs, axis=-1, keepdims=True) + 1e-06)
    capacity = max(1, int(CAPACITY_FACTOR * num_tokens / NUM_EXPERTS))
    # flatten (token, slot) assignments
    flat_expert = top_k_indices.reshape(-1)
    flat_weight = top_k_weights.reshape(-1)
    flat_token = jnp.repeat(jnp.arange(num_tokens), NUM_ACTIVE)
    # sort by (expert asc, weight desc) == torch's stable sort by expert then
    # within-expert descending weight selection for capacity
    order = jnp.lexsort((-flat_weight, flat_expert))
    s_expert = flat_expert[order]
    s_weight = flat_weight[order]
    s_token = flat_token[order]
    counts = jnp.bincount(flat_expert, length=NUM_EXPERTS)
    starts = jnp.cumsum(counts) - counts
    rank = jnp.arange(s_expert.shape[0]) - starts[s_expert]
    keep = rank < capacity
    total_slots = NUM_EXPERTS * capacity
    pos = jnp.where(keep, s_expert * capacity + rank, total_slots)
    buf_tok = jnp.zeros(total_slots + 1, dtype=jnp.int32).at[pos].set(s_token.astype(jnp.int32))
    buf_w = jnp.zeros(total_slots + 1, dtype=x.dtype).at[pos].set(s_weight)
    disp_tok = buf_tok[:total_slots]
    disp_w = buf_w[:total_slots]
    # gather -> batched expert FFN (SwiGLU) -> scatter-add
    exp_in = x_flat[disp_tok].reshape(NUM_EXPERTS, capacity, D)
    gate = jnp.einsum('ecd,edf->ecf', exp_in, Wg)
    up = jnp.einsum('ecd,edf->ecf', exp_in, Wu)
    h = jax.nn.silu(gate) * up
    exp_out = jnp.einsum('ecf,efd->ecd', h, Wd).reshape(total_slots, D)
    contrib = disp_w[:, None] * exp_out
    output = jnp.zeros_like(x_flat).at[disp_tok].add(contrib)
    return output.reshape(B, L, D)


def reference(x, Wr, Wg, Wu, Wd):
    return _moe_forward(x, Wr, Wg, Wu, Wd)

if __name__ == "__main__":
    import jax
    _d = setup_inputs()
    print(jax.jit(kernel)(*tuple(_d.values())))

</pallas_src>

<mosaic_0001>
#map = affine_map<(d0, d1) -> (0, 0)>
#map1 = affine_map<(d0, d1) -> (0)>
module attributes {stable_mosaic.version = 14 : i64} {
  func.func @run(%arg0: i32, %arg1: i32, %arg2: memref<4096x1024xf32, #tpu.memory_space<hbm>>, %arg3: memref<4096xi32, #tpu.memory_space<hbm>>, %arg4: memref<4096xi32, #tpu.memory_space<hbm>>, %arg5: memref<5760x1024xf32, #tpu.memory_space<hbm>>, %arg6: memref<64xi32, #tpu.memory_space<vmem>>, %arg7: memref<64xi32, #tpu.memory_space<vmem>>, %arg8: memref<64x1024xf32, #tpu.memory_space<vmem>>) attributes {dimension_semantics = [#tpu.dimension_semantics<core_parallel>, #tpu.dimension_semantics<subcore_parallel>], iteration_bounds = array<i64: 2, 16>, scalar_prefetch = 0 : i64, scratch_operands = 3 : i64, tpu.core_type = #tpu.core_type<sc_vector_subcore>, window_params = [{transform_indices = #map}, {transform_indices = #map1}, {transform_indices = #map1}, {transform_indices = #map}]} {
    %mul3A = arith.constant 2 : i32
    %mul3A_0 = arith.muli %arg1, %mul3A : i32
    %add3A = arith.addi %mul3A_0, %arg0 : i32
    %scan3A = arith.constant 0 : i32
    %scan3A_1 = arith.constant 2 : i32
    %scan3A_2 = arith.addi %scan3A, %scan3A_1 : i32
    %scan3A_3 = arith.constant 1 : i32
    scf.for %scan3A_5 = %scan3A to %scan3A_2 step %scan3A_3  : i32 {
      %mul3A_6 = arith.constant 1 : i32
      %mul3A_7 = arith.muli %scan3A_5, %mul3A_6 : i32
      %add3A_8 = arith.constant 0 : i32
      %add3A_9 = arith.addi %add3A_8, %mul3A_7 : i32
      %mul3A_10 = arith.constant 128 : i32
      %mul3A_11 = arith.muli %add3A, %mul3A_10 : i32
      %mul3A_12 = arith.constant 64 : i32
      %mul3A_13 = arith.muli %add3A_9, %mul3A_12 : i32
      %add3A_14 = arith.addi %mul3A_11, %mul3A_13 : i32
      "tpu.region"() ({
        %run_scoped3A = tpu.sem_alloc : memref<!tpu.dma_semaphore, #tpu.memory_space<semaphore_mem>>
        %dma_start3A = arith.constant 0 : i32
        %dma_start3A_15 = tpu.memref_slice %arg2[%add3A_14, %dma_start3A] : memref<4096x1024xf32, #tpu.memory_space<hbm>> -> memref<64x1024xf32, #tpu.memory_space<hbm>>
        %dma_start3A_16 = arith.constant 0 : i32
        %dma_start3A_17 = tpu.memref_slice %arg2[%add3A_14, %dma_start3A_16] : memref<4096x1024xf32, #tpu.memory_space<hbm>> -> memref<64x1024xf32, #tpu.memory_space<hbm>>
        tpu.enqueue_dma source(%dma_start3A_17 : memref<64x1024xf32, #tpu.memory_space<hbm>>) target(%arg8 : memref<64x1024xf32, #tpu.memory_space<vmem>>) target_semaphore(%run_scoped3A : memref<!tpu.dma_semaphore, #tpu.memory_space<semaphore_mem>>)
        %dma_wait3A = arith.constant 0 : i32
        %dma_wait3A_18 = tpu.memref_slice %arg2[%add3A_14, %dma_wait3A] : memref<4096x1024xf32, #tpu.memory_space<hbm>> -> memref<64x1024xf32, #tpu.memory_space<hbm>>
        %dma_wait3A_19 = arith.constant 0 : i32
        %dma_wait3A_20 = tpu.memref_slice %arg2[%add3A_14, %dma_wait3A_19] : memref<4096x1024xf32, #tpu.memory_space<hbm>> -> memref<64x1024xf32, #tpu.memory_space<hbm>>
        tpu.wait_dma2 semaphore(%run_scoped3A : memref<!tpu.dma_semaphore, #tpu.memory_space<semaphore_mem>>) src(%dma_wait3A_20 : memref<64x1024xf32, #tpu.memory_space<hbm>>) dst(%arg8 : memref<64x1024xf32, #tpu.memory_space<vmem>>)
        tpu.yield
      }) : () -> ()
      "tpu.region"() ({
        %run_scoped3A = tpu.sem_alloc : memref<!tpu.dma_semaphore, #tpu.memory_space<semaphore_mem>>
        %dma_start3A = tpu.memref_slice %arg3[%add3A_14] : memref<4096xi32, #tpu.memory_space<hbm>> -> memref<64xi32, #tpu.memory_space<hbm>>
        %dma_start3A_15 = tpu.memref_slice %arg3[%add3A_14] : memref<4096xi32, #tpu.memory_space<hbm>> -> memref<64xi32, #tpu.memory_space<hbm>>
        tpu.enqueue_dma source(%dma_start3A_15 : memref<64xi32, #tpu.memory_space<hbm>>) target(%arg6 : memref<64xi32, #tpu.memory_space<vmem>>) target_semaphore(%run_scoped3A : memref<!tpu.dma_semaphore, #tpu.memory_space<semaphore_mem>>)
        %dma_wait3A = tpu.memref_slice %arg3[%add3A_14] : memref<4096xi32, #tpu.memory_space<hbm>> -> memref<64xi32, #tpu.memory_space<hbm>>
        %dma_wait3A_16 = tpu.memref_slice %arg3[%add3A_14] : memref<4096xi32, #tpu.memory_space<hbm>> -> memref<64xi32, #tpu.memory_space<hbm>>
        tpu.wait_dma2 semaphore(%run_scoped3A : memref<!tpu.dma_semaphore, #tpu.memory_space<semaphore_mem>>) src(%dma_wait3A_16 : memref<64xi32, #tpu.memory_space<hbm>>) dst(%arg6 : memref<64xi32, #tpu.memory_space<vmem>>)
        tpu.yield
      }) : () -> ()
      "tpu.region"() ({
        %run_scoped3A = tpu.sem_alloc : memref<!tpu.dma_semaphore, #tpu.memory_space<semaphore_mem>>
        %dma_start3A = arith.constant 0 : i32
        %dma_start3A_15 = arith.constant 0 : i32
        %dma_start3A_16 = tpu.memref_slice %arg5[%dma_start3A, %dma_start3A_15] : memref<5760x1024xf32, #tpu.memory_space<hbm>> -> memref<5760x1024xf32, #tpu.memory_space<hbm>>
        tpu.enqueue_indirect_dma source(%arg8 : memref<64x1024xf32, #tpu.memory_space<vmem>>) target(%dma_start3A_16 : memref<5760x1024xf32, #tpu.memory_space<hbm>>) offsets(%arg6 : memref<64xi32, #tpu.memory_space<vmem>>) semaphore(%run_scoped3A : memref<!tpu.dma_semaphore, #tpu.memory_space<semaphore_mem>>)
        %dma_wait3A = arith.constant 0 : i32
        %dma_wait3A_17 = arith.constant 0 : i32
        %dma_wait3A_18 = tpu.memref_slice %arg5[%dma_wait3A, %dma_wait3A_17] : memref<5760x1024xf32, #tpu.memory_space<hbm>> -> memref<5760x1024xf32, #tpu.memory_space<hbm>>
        tpu.wait_indirect_dma semaphore(%run_scoped3A : memref<!tpu.dma_semaphore, #tpu.memory_space<semaphore_mem>>) src(%arg8 : memref<64x1024xf32, #tpu.memory_space<vmem>>) dst(%dma_wait3A_18 : memref<5760x1024xf32, #tpu.memory_space<hbm>>)
        tpu.yield
      }) : () -> ()
      "tpu.region"() ({
        %run_scoped3A = tpu.sem_alloc : memref<!tpu.dma_semaphore, #tpu.memory_space<semaphore_mem>>
        %dma_start3A = tpu.memref_slice %arg4[%add3A_14] : memref<4096xi32, #tpu.memory_space<hbm>> -> memref<64xi32, #tpu.memory_space<hbm>>
        %dma_start3A_15 = tpu.memref_slice %arg4[%add3A_14] : memref<4096xi32, #tpu.memory_space<hbm>> -> memref<64xi32, #tpu.memory_space<hbm>>
        tpu.enqueue_dma source(%dma_start3A_15 : memref<64xi32, #tpu.memory_space<hbm>>) target(%arg7 : memref<64xi32, #tpu.memory_space<vmem>>) target_semaphore(%run_scoped3A : memref<!tpu.dma_semaphore, #tpu.memory_space<semaphore_mem>>)
        %dma_wait3A = tpu.memref_slice %arg4[%add3A_14] : memref<4096xi32, #tpu.memory_space<hbm>> -> memref<64xi32, #tpu.memory_space<hbm>>
        %dma_wait3A_16 = tpu.memref_slice %arg4[%add3A_14] : memref<4096xi32, #tpu.memory_space<hbm>> -> memref<64xi32, #tpu.memory_space<hbm>>
        tpu.wait_dma2 semaphore(%run_scoped3A : memref<!tpu.dma_semaphore, #tpu.memory_space<semaphore_mem>>) src(%dma_wait3A_16 : memref<64xi32, #tpu.memory_space<hbm>>) dst(%arg7 : memref<64xi32, #tpu.memory_space<vmem>>)
        tpu.yield
      }) : () -> ()
      "tpu.region"() ({
        %run_scoped3A = tpu.sem_alloc : memref<!tpu.dma_semaphore, #tpu.memory_space<semaphore_mem>>
        %dma_start3A = arith.constant 0 : i32
        %dma_start3A_15 = arith.constant 0 : i32
        %dma_start3A_16 = tpu.memref_slice %arg5[%dma_start3A, %dma_start3A_15] : memref<5760x1024xf32, #tpu.memory_space<hbm>> -> memref<5760x1024xf32, #tpu.memory_space<hbm>>
        tpu.enqueue_indirect_dma source(%arg8 : memref<64x1024xf32, #tpu.memory_space<vmem>>) target(%dma_start3A_16 : memref<5760x1024xf32, #tpu.memory_space<hbm>>) offsets(%arg7 : memref<64xi32, #tpu.memory_space<vmem>>) semaphore(%run_scoped3A : memref<!tpu.dma_semaphore, #tpu.memory_space<semaphore_mem>>)
        %dma_wait3A = arith.constant 0 : i32
        %dma_wait3A_17 = arith.constant 0 : i32
        %dma_wait3A_18 = tpu.memref_slice %arg5[%dma_wait3A, %dma_wait3A_17] : memref<5760x1024xf32, #tpu.memory_space<hbm>> -> memref<5760x1024xf32, #tpu.memory_space<hbm>>
        tpu.wait_indirect_dma semaphore(%run_scoped3A : memref<!tpu.dma_semaphore, #tpu.memory_space<semaphore_mem>>) src(%arg8 : memref<64x1024xf32, #tpu.memory_space<vmem>>) dst(%dma_wait3A_18 : memref<5760x1024xf32, #tpu.memory_space<hbm>>)
        tpu.yield
      }) : () -> ()
    }
    %scan3A_4 = arith.constant 2 : i32
    return
  }
}

#map = affine_map<(d0, d1) -> (0, 0)>
#map1 = affine_map<(d0, d1) -> (0)>
module attributes {stable_mosaic.version = 14 : i64} {
  func.func @run(%arg0: i32, %arg1: i32, %arg2: memref<5120x1024xf32, #tpu.memory_space<hbm>>, %arg3: memref<4096xi32, #tpu.memory_space<hbm>>, %arg4: memref<4096xi32, #tpu.memory_space<hbm>>, %arg5: memref<4096x1024xf32, #tpu.memory_space<hbm>>, %arg6: memref<4096x1024xf32, #tpu.memory_space<hbm>>, %arg7: memref<64xi32, #tpu.memory_space<vmem>>, %arg8: memref<64xi32, #tpu.memory_space<vmem>>, %arg9: memref<64x1024xf32, #tpu.memory_space<vmem>>) attributes {dimension_semantics = [#tpu.dimension_semantics<core_parallel>, #tpu.dimension_semantics<subcore_parallel>], iteration_bounds = array<i64: 2, 16>, scalar_prefetch = 0 : i64, scratch_operands = 3 : i64, tpu.core_type = #tpu.core_type<sc_vector_subcore>, window_params = [{transform_indices = #map}, {transform_indices = #map1}, {transform_indices = #map1}, {transform_indices = #map}, {transform_indices = #map}]} {
    %mul3A = arith.constant 2 : i32
    %mul3A_0 = arith.muli %arg1, %mul3A : i32
    %add3A = arith.addi %mul3A_0, %arg0 : i32
    %scan3A = arith.constant 0 : i32
    %scan3A_1 = arith.constant 2 : i32
    %scan3A_2 = arith.addi %scan3A, %scan3A_1 : i32
    %scan3A_3 = arith.constant 1 : i32
    scf.for %scan3A_5 = %scan3A to %scan3A_2 step %scan3A_3  : i32 {
      %mul3A_6 = arith.constant 1 : i32
      %mul3A_7 = arith.muli %scan3A_5, %mul3A_6 : i32
      %add3A_8 = arith.constant 0 : i32
      %add3A_9 = arith.addi %add3A_8, %mul3A_7 : i32
      %mul3A_10 = arith.constant 128 : i32
      %mul3A_11 = arith.muli %add3A, %mul3A_10 : i32
      %mul3A_12 = arith.constant 64 : i32
      %mul3A_13 = arith.muli %add3A_9, %mul3A_12 : i32
      %add3A_14 = arith.addi %mul3A_11, %mul3A_13 : i32
      "tpu.region"() ({
        %run_scoped3A = tpu.sem_alloc : memref<!tpu.dma_semaphore, #tpu.memory_space<semaphore_mem>>
        %dma_start3A = tpu.memref_slice %arg3[%add3A_14] : memref<4096xi32, #tpu.memory_space<hbm>> -> memref<64xi32, #tpu.memory_space<hbm>>
        %dma_start3A_15 = tpu.memref_slice %arg3[%add3A_14] : memref<4096xi32, #tpu.memory_space<hbm>> -> memref<64xi32, #tpu.memory_space<hbm>>
        tpu.enqueue_dma source(%dma_start3A_15 : memref<64xi32, #tpu.memory_space<hbm>>) target(%arg7 : memref<64xi32, #tpu.memory_space<vmem>>) target_semaphore(%run_scoped3A : memref<!tpu.dma_semaphore, #tpu.memory_space<semaphore_mem>>)
        %dma_wait3A = tpu.memref_slice %arg3[%add3A_14] : memref<4096xi32, #tpu.memory_space<hbm>> -> memref<64xi32, #tpu.memory_space<hbm>>
        %dma_wait3A_16 = tpu.memref_slice %arg3[%add3A_14] : memref<4096xi32, #tpu.memory_space<hbm>> -> memref<64xi32, #tpu.memory_space<hbm>>
        tpu.wait_dma2 semaphore(%run_scoped3A : memref<!tpu.dma_semaphore, #tpu.memory_space<semaphore_mem>>) src(%dma_wait3A_16 : memref<64xi32, #tpu.memory_space<hbm>>) dst(%arg7 : memref<64xi32, #tpu.memory_space<vmem>>)
        tpu.yield
      }) : () -> ()
      "tpu.region"() ({
        %run_scoped3A = tpu.sem_alloc : memref<!tpu.dma_semaphore, #tpu.memory_space<semaphore_mem>>
        %dma_start3A = arith.constant 0 : i32
        %dma_start3A_15 = arith.constant 0 : i32
        %dma_start3A_16 = tpu.memref_slice %arg2[%dma_start3A, %dma_start3A_15] : memref<5120x1024xf32, #tpu.memory_space<hbm>> -> memref<5120x1024xf32, #tpu.memory_space<hbm>>
        tpu.enqueue_indirect_dma source(%dma_start3A_16 : memref<5120x1024xf32, #tpu.memory_space<hbm>>) target(%arg9 : memref<64x1024xf32, #tpu.memory_space<vmem>>) offsets(%arg7 : memref<64xi32, #tpu.memory_space<vmem>>) semaphore(%run_scoped3A : memref<!tpu.dma_semaphore, #tpu.memory_space<semaphore_mem>>)
        %dma_wait3A = arith.constant 0 : i32
        %dma_wait3A_17 = arith.constant 0 : i32
        %dma_wait3A_18 = tpu.memref_slice %arg2[%dma_wait3A, %dma_wait3A_17] : memref<5120x1024xf32, #tpu.memory_space<hbm>> -> memref<5120x1024xf32, #tpu.memory_space<hbm>>
        tpu.wait_indirect_dma semaphore(%run_scoped3A : memref<!tpu.dma_semaphore, #tpu.memory_space<semaphore_mem>>) src(%dma_wait3A_18 : memref<5120x1024xf32, #tpu.memory_space<hbm>>) dst(%arg9 : memref<64x1024xf32, #tpu.memory_space<vmem>>)
        tpu.yield
      }) : () -> ()
      "tpu.region"() ({
        %run_scoped3A = tpu.sem_alloc : memref<!tpu.dma_semaphore, #tpu.memory_space<semaphore_mem>>
        %dma_start3A = arith.constant 0 : i32
        %dma_start3A_15 = tpu.memref_slice %arg5[%add3A_14, %dma_start3A] : memref<4096x1024xf32, #tpu.memory_space<hbm>> -> memref<64x1024xf32, #tpu.memory_space<hbm>>
        %dma_start3A_16 = arith.constant 0 : i32
        %dma_start3A_17 = tpu.memref_slice %arg5[%add3A_14, %dma_start3A_16] : memref<4096x1024xf32, #tpu.memory_space<hbm>> -> memref<64x1024xf32, #tpu.memory_space<hbm>>
        tpu.enqueue_dma source(%arg9 : memref<64x1024xf32, #tpu.memory_space<vmem>>) target(%dma_start3A_17 : memref<64x1024xf32, #tpu.memory_space<hbm>>) target_semaphore(%run_scoped3A : memref<!tpu.dma_semaphore, #tpu.memory_space<semaphore_mem>>)
        %dma_wait3A = arith.constant 0 : i32
        %dma_wait3A_18 = tpu.memref_slice %arg5[%add3A_14, %dma_wait3A] : memref<4096x1024xf32, #tpu.memory_space<hbm>> -> memref<64x1024xf32, #tpu.memory_space<hbm>>
        %dma_wait3A_19 = arith.constant 0 : i32
        %dma_wait3A_20 = tpu.memref_slice %arg5[%add3A_14, %dma_wait3A_19] : memref<4096x1024xf32, #tpu.memory_space<hbm>> -> memref<64x1024xf32, #tpu.memory_space<hbm>>
        tpu.wait_dma2 semaphore(%run_scoped3A : memref<!tpu.dma_semaphore, #tpu.memory_space<semaphore_mem>>) src(%arg9 : memref<64x1024xf32, #tpu.memory_space<vmem>>) dst(%dma_wait3A_20 : memref<64x1024xf32, #tpu.memory_space<hbm>>)
        tpu.yield
      }) : () -> ()
      "tpu.region"() ({
        %run_scoped3A = tpu.sem_alloc : memref<!tpu.dma_semaphore, #tpu.memory_space<semaphore_mem>>
        %dma_start3A = tpu.memref_slice %arg4[%add3A_14] : memref<4096xi32, #tpu.memory_space<hbm>> -> memref<64xi32, #tpu.memory_space<hbm>>
        %dma_start3A_15 = tpu.memref_slice %arg4[%add3A_14] : memref<4096xi32, #tpu.memory_space<hbm>> -> memref<64xi32, #tpu.memory_space<hbm>>
        tpu.enqueue_dma source(%dma_start3A_15 : memref<64xi32, #tpu.memory_space<hbm>>) target(%arg8 : memref<64xi32, #tpu.memory_space<vmem>>) target_semaphore(%run_scoped3A : memref<!tpu.dma_semaphore, #tpu.memory_space<semaphore_mem>>)
        %dma_wait3A = tpu.memref_slice %arg4[%add3A_14] : memref<4096xi32, #tpu.memory_space<hbm>> -> memref<64xi32, #tpu.memory_space<hbm>>
        %dma_wait3A_16 = tpu.memref_slice %arg4[%add3A_14] : memref<4096xi32, #tpu.memory_space<hbm>> -> memref<64xi32, #tpu.memory_space<hbm>>
        tpu.wait_dma2 semaphore(%run_scoped3A : memref<!tpu.dma_semaphore, #tpu.memory_space<semaphore_mem>>) src(%dma_wait3A_16 : memref<64xi32, #tpu.memory_space<hbm>>) dst(%arg8 : memref<64xi32, #tpu.memory_space<vmem>>)
        tpu.yield
      }) : () -> ()
      "tpu.region"() ({
        %run_scoped3A = tpu.sem_alloc : memref<!tpu.dma_semaphore, #tpu.memory_space<semaphore_mem>>
        %dma_start3A = arith.constant 0 : i32
        %dma_start3A_15 = arith.constant 0 : i32
        %dma_start3A_16 = tpu.memref_slice %arg2[%dma_start3A, %dma_start3A_15] : memref<5120x1024xf32, #tpu.memory_space<hbm>> -> memref<5120x1024xf32, #tpu.memory_space<hbm>>
        tpu.enqueue_indirect_dma source(%dma_start3A_16 : memref<5120x1024xf32, #tpu.memory_space<hbm>>) target(%arg9 : memref<64x1024xf32, #tpu.memory_space<vmem>>) offsets(%arg8 : memref<64xi32, #tpu.memory_space<vmem>>) semaphore(%run_scoped3A : memref<!tpu.dma_semaphore, #tpu.memory_space<semaphore_mem>>)
        %dma_wait3A = arith.constant 0 : i32
        %dma_wait3A_17 = arith.constant 0 : i32
        %dma_wait3A_18 = tpu.memref_slice %arg2[%dma_wait3A, %dma_wait3A_17] : memref<5120x1024xf32, #tpu.memory_space<hbm>> -> memref<5120x1024xf32, #tpu.memory_space<hbm>>
        tpu.wait_indirect_dma semaphore(%run_scoped3A : memref<!tpu.dma_semaphore, #tpu.memory_space<semaphore_mem>>) src(%dma_wait3A_18 : memref<5120x1024xf32, #tpu.memory_space<hbm>>) dst(%arg9 : memref<64x1024xf32, #tpu.memory_space<vmem>>)
        tpu.yield
      }) : () -> ()
      "tpu.region"() ({
        %run_scoped3A = tpu.sem_alloc : memref<!tpu.dma_semaphore, #tpu.memory_space<semaphore_mem>>
        %dma_start3A = arith.constant 0 : i32
        %dma_start3A_15 = tpu.memref_slice %arg6[%add3A_14, %dma_start3A] : memref<4096x1024xf32, #tpu.memory_space<hbm>> -> memref<64x1024xf32, #tpu.memory_space<hbm>>
        %dma_start3A_16 = arith.constant 0 : i32
        %dma_start3A_17 = tpu.memref_slice %arg6[%add3A_14, %dma_start3A_16] : memref<4096x1024xf32, #tpu.memory_space<hbm>> -> memref<64x1024xf32, #tpu.memory_space<hbm>>
        tpu.enqueue_dma source(%arg9 : memref<64x1024xf32, #tpu.memory_space<vmem>>) target(%dma_start3A_17 : memref<64x1024xf32, #tpu.memory_space<hbm>>) target_semaphore(%run_scoped3A : memref<!tpu.dma_semaphore, #tpu.memory_space<semaphore_mem>>)
        %dma_wait3A = arith.constant 0 : i32
        %dma_wait3A_18 = tpu.memref_slice %arg6[%add3A_14, %dma_wait3A] : memref<4096x1024xf32, #tpu.memory_space<hbm>> -> memref<64x1024xf32, #tpu.memory_space<hbm>>
        %dma_wait3A_19 = arith.constant 0 : i32
        %dma_wait3A_20 = tpu.memref_slice %arg6[%add3A_14, %dma_wait3A_19] : memref<4096x1024xf32, #tpu.memory_space<hbm>> -> memref<64x1024xf32, #tpu.memory_space<hbm>>
        tpu.wait_dma2 semaphore(%run_scoped3A : memref<!tpu.dma_semaphore, #tpu.memory_space<semaphore_mem>>) src(%arg9 : memref<64x1024xf32, #tpu.memory_space<vmem>>) dst(%dma_wait3A_20 : memref<64x1024xf32, #tpu.memory_space<hbm>>)
        tpu.yield
      }) : () -> ()
    }
    %scan3A_4 = arith.constant 2 : i32
    return
  }
}

module attributes {stable_mosaic.version = 14 : i64} {
  func.func @_ffn_body(%arg0: i32, %arg1: i32, %arg2: memref<640x1024xf32, #tpu.memory_space<vmem>>, %arg3: memref<1x1024x512xf32, #tpu.memory_space<vmem>>, %arg4: memref<1x1024x512xf32, #tpu.memory_space<vmem>>, %arg5: memref<1x512x1024xf32, #tpu.memory_space<vmem>>, %arg6: memref<640x1024xf32, #tpu.memory_space<vmem>>, %arg7: memref<640x1024xf32, #tpu.memory_space<vmem>>) attributes {dimension_semantics = [#tpu.dimension_semantics<parallel>, #tpu.dimension_semantics<arbitrary>], iteration_bounds = array<i64: 8, 8>, scalar_prefetch = 0 : i64, scratch_operands = 1 : i64, tpu.core_type = #tpu.core_type<tc>, window_params = [{transform_indices = @transform_0, window_bounds = array<i64: 640, 1024>}, {transform_indices = @transform_1, window_bounds = array<i64: 1, 1024, 512>}, {transform_indices = @transform_2, window_bounds = array<i64: 1, 1024, 512>}, {transform_indices = @transform_3, window_bounds = array<i64: 1, 512, 1024>}, {transform_indices = @transform_4, window_bounds = array<i64: 640, 1024>}]} {
    %get3A = arith.constant 0 : index
    %get3A_0 = arith.constant 0 : index
    %get3A_1 = vector.load %arg2[%get3A, %get3A_0] : memref<640x1024xf32, #tpu.memory_space<vmem>>, vector<640x1024xf32>
    %ne3A = arith.cmpf one, %get3A_1, %get3A_1 : vector<640x1024xf32>
    %jit3A = arith.constant 0.000000e+00 : f32
    %broadcast_in_dim3A = vector.broadcast %jit3A : f32 to vector<640x1024xf32>
    %select_n3A = arith.select %ne3A, %broadcast_in_dim3A, %get3A_1 : vector<640x1024xi1>, vector<640x1024xf32>
    %jit3A_2 = arith.constant -1.000000e+04 : f32
    %jit3A_3 = arith.constant 1.000000e+04 : f32
    %max3A = vector.broadcast %jit3A_2 : f32 to vector<640x1024xf32>
    %max3A_4 = arith.maximumf %max3A, %select_n3A : vector<640x1024xf32>
    %min3A = vector.broadcast %jit3A_3 : f32 to vector<640x1024xf32>
    %min3A_5 = arith.minimumf %min3A, %max3A_4 : vector<640x1024xf32>
    %convert_element_type3A = arith.truncf %min3A_5 : vector<640x1024xf32> to vector<640x1024xbf16>
    %get3A_6 = arith.constant 0 : index
    %get3A_7 = arith.constant 0 : index
    %get3A_8 = arith.constant 0 : index
    %get3A_9 = vector.load %arg3[%get3A_6, %get3A_7, %get3A_8] : memref<1x1024x512xf32, #tpu.memory_space<vmem>>, vector<1x1024x512xf32>
    %get3A_10 = vector.shape_cast %get3A_9 : vector<1x1024x512xf32> to vector<1024x512xf32>
    %convert_element_type3A_11 = arith.truncf %get3A_10 : vector<1024x512xf32> to vector<1024x512xbf16>
    %get3A_12 = arith.constant 0 : index
    %get3A_13 = arith.constant 0 : index
    %get3A_14 = arith.constant 0 : index
    %get3A_15 = vector.load %arg4[%get3A_12, %get3A_13, %get3A_14] : memref<1x1024x512xf32, #tpu.memory_space<vmem>>, vector<1x1024x512xf32>
    %get3A_16 = vector.shape_cast %get3A_15 : vector<1x1024x512xf32> to vector<1024x512xf32>
    %convert_element_type3A_17 = arith.truncf %get3A_16 : vector<1024x512xf32> to vector<1024x512xbf16>
    %get3A_18 = arith.constant 0 : index
    %get3A_19 = arith.constant 0 : index
    %get3A_20 = arith.constant 0 : index
    %get3A_21 = vector.load %arg5[%get3A_18, %get3A_19, %get3A_20] : memref<1x512x1024xf32, #tpu.memory_space<vmem>>, vector<1x512x1024xf32>
    %get3A_22 = vector.shape_cast %get3A_21 : vector<1x512x1024xf32> to vector<512x1024xf32>
    %convert_element_type3A_23 = arith.truncf %get3A_22 : vector<512x1024xf32> to vector<512x1024xbf16>
    %dot_general3A = arith.constant dense<0.000000e+00> : vector<640x512xf32>
    %dot_general3A_24 = tpu.matmul %convert_element_type3A, %convert_element_type3A_11, %dot_general3A {dimension_numbers = #tpu.dot_dimension_numbers<[1], [0], [0], [1], [0, 0, 1, 1], [], []>, transpose_lhs_hint = false} : vector<640x1024xbf16>, vector<1024x512xbf16>, vector<640x512xf32> -> vector<640x512xf32>
    %dot_general3A_25 = arith.constant dense<0.000000e+00> : vector<640x512xf32>
    %dot_general3A_26 = tpu.matmul %convert_element_type3A, %convert_element_type3A_17, %dot_general3A_25 {dimension_numbers = #tpu.dot_dimension_numbers<[1], [0], [0], [1], [0, 0, 1, 1], [], []>, transpose_lhs_hint = false} : vector<640x1024xbf16>, vector<1024x512xbf16>, vector<640x512xf32> -> vector<640x512xf32>
    %logistic3A = arith.negf %dot_general3A_24 : vector<640x512xf32>
    %logistic3A_27 = math.exp %logistic3A : vector<640x512xf32>
    %logistic3A_28 = arith.constant 1.000000e+00 : f32
    %logistic3A_29 = vector.broadcast %logistic3A_28 : f32 to vector<640x512xf32>
    %logistic3A_30 = arith.addf %logistic3A_29, %logistic3A_27 : vector<640x512xf32>
    %logistic3A_31 = arith.divf %logistic3A_29, %logistic3A_30 : vector<640x512xf32>
    %mul3A = arith.mulf %dot_general3A_24, %logistic3A_31 : vector<640x512xf32>
    %mul3A_32 = arith.mulf %mul3A, %dot_general3A_26 : vector<640x512xf32>
    %convert_element_type3A_33 = arith.truncf %mul3A_32 : vector<640x512xf32> to vector<640x512xbf16>
    %dot_general3A_34 = arith.constant dense<0.000000e+00> : vector<640x1024xf32>
    %dot_general3A_35 = tpu.matmul %convert_element_type3A_33, %convert_element_type3A_23, %dot_general3A_34 {dimension_numbers = #tpu.dot_dimension_numbers<[1], [0], [0], [1], [0, 0, 1, 1], [], []>, transpose_lhs_hint = false} : vector<640x512xbf16>, vector<512x1024xbf16>, vector<640x1024xf32> -> vector<640x1024xf32>
    %eq3A = arith.constant 0 : i32
    %eq3A_36 = arith.cmpi eq, %arg1, %eq3A : i32
    %convert_element_type3A_37 = arith.extui %eq3A_36 : i1 to i32
    %cond3A = arith.constant 0 : i32
    %cond3A_38 = arith.cmpi ne, %convert_element_type3A_37, %cond3A : i32
    scf.if %cond3A_38 {
      %swap3A = arith.constant 0 : index
      %swap3A_49 = arith.constant 0 : index
      %swap3A_50 = vector.load %arg7[%swap3A, %swap3A_49] : memref<640x1024xf32, #tpu.memory_space<vmem>>, vector<640x1024xf32>
      tpu.vector_store %arg7[%swap3A, %swap3A_49], %dot_general3A_35 {strides = array<i32>} : memref<640x1024xf32, #tpu.memory_space<vmem>>, vector<640x1024xf32>,
    } else {
    }
    %ne3A_39 = arith.constant 0 : i32
    %ne3A_40 = arith.cmpi ne, %arg1, %ne3A_39 : i32
    %convert_element_type3A_41 = arith.extui %ne3A_40 : i1 to i32
    %cond3A_42 = arith.constant 0 : i32
    %cond3A_43 = arith.cmpi ne, %convert_element_type3A_41, %cond3A_42 : i32
    scf.if %cond3A_43 {
      %get3A_49 = arith.constant 0 : index
      %get3A_50 = arith.constant 0 : index
      %get3A_51 = vector.load %arg7[%get3A_49, %get3A_50] : memref<640x1024xf32, #tpu.memory_space<vmem>>, vector<640x1024xf32>
      %add3A = arith.addf %get3A_51, %dot_general3A_35 : vector<640x1024xf32>
      %swap3A = arith.constant 0 : index
      %swap3A_52 = arith.constant 0 : index
      %swap3A_53 = vector.load %arg7[%swap3A, %swap3A_52] : memref<640x1024xf32, #tpu.memory_space<vmem>>, vector<640x1024xf32>
      tpu.vector_store %arg7[%swap3A, %swap3A_52], %add3A {strides = array<i32>} : memref<640x1024xf32, #tpu.memory_space<vmem>>, vector<640x1024xf32>,
    } else {
    }
    %eq3A_44 = arith.constant 7 : i32
    %eq3A_45 = arith.cmpi eq, %arg1, %eq3A_44 : i32
    %convert_element_type3A_46 = arith.extui %eq3A_45 : i1 to i32
    %cond3A_47 = arith.constant 0 : i32
    %cond3A_48 = arith.cmpi ne, %convert_element_type3A_46, %cond3A_47 : i32
    scf.if %cond3A_48 {
      %get3A_49 = arith.constant 0 : index
      %get3A_50 = arith.constant 0 : index
      %get3A_51 = vector.load %arg7[%get3A_49, %get3A_50] : memref<640x1024xf32, #tpu.memory_space<vmem>>, vector<640x1024xf32>
      %swap3A = arith.constant 0 : index
      %swap3A_52 = arith.constant 0 : index
      %swap3A_53 = vector.load %arg6[%swap3A, %swap3A_52] : memref<640x1024xf32, #tpu.memory_space<vmem>>, vector<640x1024xf32>
      tpu.vector_store %arg6[%swap3A, %swap3A_52], %get3A_51 {strides = array<i32>} : memref<640x1024xf32, #tpu.memory_space<vmem>>, vector<640x1024xf32>,
    } else {
    }
    return
  }
  func.func @transform_0(%arg0: i32, %arg1: i32) -> (i32, i32) {
    %c0_i32 = arith.constant 0 : i32
    %c0_i32_0 = arith.constant 0 : i32
    return %arg0, %c0_i32 : i32, i32
  }
  func.func @transform_1(%arg0: i32, %arg1: i32) -> (i32, i32, i32) {
    %c0_i32 = arith.constant 0 : i32
    %c0_i32_0 = arith.constant 0 : i32
    return %arg0, %c0_i32, %arg1 : i32, i32, i32
  }
  func.func @transform_2(%arg0: i32, %arg1: i32) -> (i32, i32, i32) {
    %c0_i32 = arith.constant 0 : i32
    %c0_i32_0 = arith.constant 0 : i32
    return %arg0, %c0_i32, %arg1 : i32, i32, i32
  }
  func.func @transform_3(%arg0: i32, %arg1: i32) -> (i32, i32, i32) {
    %c0_i32 = arith.constant 0 : i32
    %c0_i32_0 = arith.constant 0 : i32
    return %arg0, %arg1, %c0_i32 : i32, i32, i32
  }
  func.func @transform_4(%arg0: i32, %arg1: i32) -> (i32, i32) {
    %c0_i32 = arith.constant 0 : i32
    %c0_i32_0 = arith.constant 0 : i32
    return %arg0, %c0_i32 : i32, i32
  }
}

module attributes {stable_mosaic.version = 14 : i64} {
  func.func @_route_select_body(%arg0: memref<4096x1024xf32, #tpu.memory_space<vmem>>, %arg1: memref<1024x8xf32, #tpu.memory_space<vmem>>, %arg2: memref<4096x1xi32, #tpu.memory_space<vmem>>, %arg3: memref<4096x1xi32, #tpu.memory_space<vmem>>, %arg4: memref<4096x1xi32, #tpu.memory_space<vmem>>, %arg5: memref<4096x1xi32, #tpu.memory_space<vmem>>, %arg6: memref<4096x1xf32, #tpu.memory_space<vmem>>, %arg7: memref<4096x1xf32, #tpu.memory_space<vmem>>) attributes {dimension_semantics = [], scalar_prefetch = 0 : i64, scratch_operands = 0 : i64, tpu.core_type = #tpu.core_type<tc>} {
    %get3A = arith.constant 0 : index
    %get3A_0 = arith.constant 0 : index
    %get3A_1 = vector.load %arg0[%get3A, %get3A_0] : memref<4096x1024xf32, #tpu.memory_space<vmem>>, vector<4096x1024xf32>
    %get3A_2 = arith.constant 0 : index
    %get3A_3 = arith.constant 0 : index
    %get3A_4 = vector.load %arg1[%get3A_2, %get3A_3] : memref<1024x8xf32, #tpu.memory_space<vmem>>, vector<1024x8xf32>
    %dot_general3A = arith.constant dense<0.000000e+00> : vector<4096x8xf32>
    %dot_general3A_5 = tpu.matmul %get3A_1, %get3A_4, %dot_general3A {dimension_numbers = #tpu.dot_dimension_numbers<[1], [0], [0], [1], [0, 0, 1, 1], [], []>, transpose_lhs_hint = false} : vector<4096x1024xf32>, vector<1024x8xf32>, vector<4096x8xf32> -> vector<4096x8xf32>
    %reduce_max3A = arith.constant dense<0xFF800000> : vector<4096xf32>
    %reduce_max3A_6 = vector.multi_reduction <maximumf>, %dot_general3A_5, %reduce_max3A [1] : vector<4096x8xf32> to vector<4096xf32>
    %broadcast_in_dim3A = vector.shape_cast %reduce_max3A_6 : vector<4096xf32> to vector<4096x1xf32>
    %sub3A = vector.broadcast %broadcast_in_dim3A : vector<4096x1xf32> to vector<4096x8xf32>
    %sub3A_7 = arith.subf %dot_general3A_5, %sub3A : vector<4096x8xf32>
    %exp3A = math.exp %sub3A_7 : vector<4096x8xf32>
    %reduce_sum3A = arith.constant dense<0.000000e+00> : vector<4096xf32>
    %reduce_sum3A_8 = vector.multi_reduction <add>, %exp3A, %reduce_sum3A [1] : vector<4096x8xf32> to vector<4096xf32>
    %broadcast_in_dim3A_9 = vector.shape_cast %reduce_sum3A_8 : vector<4096xf32> to vector<4096x1xf32>
    %div3A = vector.broadcast %broadcast_in_dim3A_9 : vector<4096x1xf32> to vector<4096x8xf32>
    %div3A_10 = arith.divf %exp3A, %div3A : vector<4096x8xf32>
    %iota3A = tpu.iota {dimensions = array<i32: 1>} : vector<4096x8xi32>
    %reduce_max3A_11 = arith.constant dense<0xFF800000> : vector<4096xf32>
    %reduce_max3A_12 = vector.multi_reduction <maximumf>, %div3A_10, %reduce_max3A_11 [1] : vector<4096x8xf32> to vector<4096xf32>
    %broadcast_in_dim3A_13 = vector.shape_cast %reduce_max3A_12 : vector<4096xf32> to vector<4096x1xf32>
    %eq3A = vector.broadcast %broadcast_in_dim3A_13 : vector<4096x1xf32> to vector<4096x8xf32>
    %eq3A_14 = arith.cmpf oeq, %div3A_10, %eq3A : vector<4096x8xf32>
    %jit3A = arith.constant 8 : i32
    %broadcast_in_dim3A_15 = vector.broadcast %jit3A : i32 to vector<4096x8xi32>
    %select_n3A = arith.select %eq3A_14, %iota3A, %broadcast_in_dim3A_15 : vector<4096x8xi1>, vector<4096x8xi32>
    %reduce_min3A = arith.constant dense<2147483647> : vector<4096xi32>
    %reduce_min3A_16 = vector.multi_reduction <minsi>, %select_n3A, %reduce_min3A [1] : vector<4096x8xi32> to vector<4096xi32>
    %broadcast_in_dim3A_17 = vector.shape_cast %reduce_min3A_16 : vector<4096xi32> to vector<4096x1xi32>
    %eq3A_18 = vector.broadcast %broadcast_in_dim3A_17 : vector<4096x1xi32> to vector<4096x8xi32>
    %eq3A_19 = arith.cmpi eq, %iota3A, %eq3A_18 : vector<4096x8xi32>
    %jit3A_20 = arith.constant -1.000000e+00 : f32
    %broadcast_in_dim3A_21 = vector.broadcast %jit3A_20 : f32 to vector<4096x8xf32>
    %select_n3A_22 = arith.select %eq3A_19, %broadcast_in_dim3A_21, %div3A_10 : vector<4096x8xi1>, vector<4096x8xf32>
    %reduce_max3A_23 = arith.constant dense<0xFF800000> : vector<4096xf32>
    %reduce_max3A_24 = vector.multi_reduction <maximumf>, %select_n3A_22, %reduce_max3A_23 [1] : vector<4096x8xf32> to vector<4096xf32>
    %broadcast_in_dim3A_25 = vector.shape_cast %reduce_max3A_24 : vector<4096xf32> to vector<4096x1xf32>
    %eq3A_26 = vector.broadcast %broadcast_in_dim3A_25 : vector<4096x1xf32> to vector<4096x8xf32>
    %eq3A_27 = arith.cmpf oeq, %select_n3A_22, %eq3A_26 : vector<4096x8xf32>
    %jit3A_28 = arith.constant 8 : i32
    %broadcast_in_dim3A_29 = vector.broadcast %jit3A_28 : i32 to vector<4096x8xi32>
    %select_n3A_30 = arith.select %eq3A_27, %iota3A, %broadcast_in_dim3A_29 : vector<4096x8xi1>, vector<4096x8xi32>
    %reduce_min3A_31 = arith.constant dense<2147483647> : vector<4096xi32>
    %reduce_min3A_32 = vector.multi_reduction <minsi>, %select_n3A_30, %reduce_min3A_31 [1] : vector<4096x8xi32> to vector<4096xi32>
    %broadcast_in_dim3A_33 = vector.shape_cast %reduce_min3A_32 : vector<4096xi32> to vector<4096x1xi32>
    %eq3A_34 = vector.broadcast %broadcast_in_dim3A_33 : vector<4096x1xi32> to vector<4096x8xi32>
    %eq3A_35 = arith.cmpi eq, %iota3A, %eq3A_34 : vector<4096x8xi32>
    %add3A = arith.addf %broadcast_in_dim3A_13, %broadcast_in_dim3A_25 : vector<4096x1xf32>
    %add3A_36 = arith.constant 9.99999997E-7 : f32
    %add3A_37 = vector.broadcast %add3A_36 : f32 to vector<4096x1xf32>
    %add3A_38 = arith.addf %add3A, %add3A_37 : vector<4096x1xf32>
    %div3A_39 = arith.divf %broadcast_in_dim3A_13, %add3A_38 : vector<4096x1xf32>
    %div3A_40 = arith.divf %broadcast_in_dim3A_25, %add3A_38 : vector<4096x1xf32>
    %jit3A_41 = arith.constant 0.000000e+00 : f32
    %broadcast_in_dim3A_42 = vector.shape_cast %div3A_39 : vector<4096x1xf32> to vector<4096x1xf32>
    %broadcast_in_dim3A_43 = vector.broadcast %broadcast_in_dim3A_42 : vector<4096x1xf32> to vector<4096x8xf32>
    %broadcast_in_dim3A_44 = vector.broadcast %jit3A_41 : f32 to vector<4096x8xf32>
    %select_n3A_45 = arith.select %eq3A_19, %broadcast_in_dim3A_43, %broadcast_in_dim3A_44 : vector<4096x8xi1>, vector<4096x8xf32>
    %jit3A_46 = arith.constant 0.000000e+00 : f32
    %broadcast_in_dim3A_47 = vector.shape_cast %div3A_40 : vector<4096x1xf32> to vector<4096x1xf32>
    %broadcast_in_dim3A_48 = vector.broadcast %broadcast_in_dim3A_47 : vector<4096x1xf32> to vector<4096x8xf32>
    %broadcast_in_dim3A_49 = vector.broadcast %jit3A_46 : f32 to vector<4096x8xf32>
    %select_n3A_50 = arith.select %eq3A_35, %broadcast_in_dim3A_48, %broadcast_in_dim3A_49 : vector<4096x8xi1>, vector<4096x8xf32>
    %add3A_51 = arith.addf %select_n3A_45, %select_n3A_50 : vector<4096x8xf32>
    %bitcast_convert_type3A = tpu.bitcast %add3A_51 : vector<4096x8xf32> -> vector<4096x8xi32>
    %broadcast_in_dim3A_52 = arith.constant 0 : i32
    %broadcast_in_dim3A_53 = vector.broadcast %broadcast_in_dim3A_52 : i32 to vector<1x8xi32>
    %broadcast_in_dim3A_54 = arith.constant 1065353217 : i32
    %broadcast_in_dim3A_55 = vector.broadcast %broadcast_in_dim3A_54 : i32 to vector<1x8xi32>
    %scan3A = arith.constant 0 : i32
    %scan3A_56 = arith.constant 31 : i32
    %scan3A_57 = arith.addi %scan3A, %scan3A_56 : i32
    %scan3A_58 = arith.constant 1 : i32
    %scan3A_59:2 = scf.for %scan3A_743 = %scan3A to %scan3A_57 step %scan3A_58 iter_args(%scan3A_744 = %broadcast_in_dim3A_53, %scan3A_745 = %broadcast_in_dim3A_55) -> (vector<1x8xi32>, vector<1x8xi32>)  : i32 {
      %add3A_746 = arith.addi %scan3A_744, %scan3A_745 : vector<1x8xi32>
      %jit3A_747 = arith.constant 2 : i32
      %div3A_748 = vector.broadcast %jit3A_747 : i32 to vector<1x8xi32>
      %div3A_749 = arith.divsi %add3A_746, %div3A_748 : vector<1x8xi32>
      %sign3A = arith.constant 0 : i32
      %sign3A_750 = vector.broadcast %sign3A : i32 to vector<1x8xi32>
      %sign3A_751 = arith.cmpi sgt, %add3A_746, %sign3A_750 : vector<1x8xi32>
      %sign3A_752 = arith.extui %sign3A_751 : vector<1x8xi1> to vector<1x8xi32>
      %sign3A_753 = arith.constant 0 : i32
      %sign3A_754 = vector.broadcast %sign3A_753 : i32 to vector<1x8xi32>
      %sign3A_755 = arith.cmpi slt, %add3A_746, %sign3A_754 : vector<1x8xi32>
      %sign3A_756 = arith.extui %sign3A_755 : vector<1x8xi1> to vector<1x8xi32>
      %sign3A_757 = arith.subi %sign3A_752, %sign3A_756 : vector<1x8xi32>
      %sign3A_758 = arith.constant 0 : i32
      %sign3A_759 = arith.cmpi sgt, %jit3A_747, %sign3A_758 : i32
      %sign3A_760 = arith.extui %sign3A_759 : i1 to i32
      %sign3A_761 = arith.constant 0 : i32
      %sign3A_762 = arith.cmpi slt, %jit3A_747, %sign3A_761 : i32
      %sign3A_763 = arith.extui %sign3A_762 : i1 to i32
      %sign3A_764 = arith.subi %sign3A_760, %sign3A_763 : i32
      %ne3A = vector.broadcast %sign3A_764 : i32 to vector<1x8xi32>
      %ne3A_765 = arith.cmpi ne, %sign3A_757, %ne3A : vector<1x8xi32>
      %rem3A = vector.broadcast %jit3A_747 : i32 to vector<1x8xi32>
      %rem3A_766 = arith.remsi %add3A_746, %rem3A : vector<1x8xi32>
      %ne3A_767 = arith.constant 0 : i32
      %ne3A_768 = vector.broadcast %ne3A_767 : i32 to vector<1x8xi32>
      %ne3A_769 = arith.cmpi ne, %rem3A_766, %ne3A_768 : vector<1x8xi32>
      %and3A_770 = arith.andi %ne3A_765, %ne3A_769 : vector<1x8xi1>
      %sub3A_771 = arith.constant 1 : i32
      %sub3A_772 = vector.broadcast %sub3A_771 : i32 to vector<1x8xi32>
      %sub3A_773 = arith.subi %div3A_749, %sub3A_772 : vector<1x8xi32>
      %select_n3A_774 = arith.select %and3A_770, %sub3A_773, %div3A_749 : vector<1x8xi1>, vector<1x8xi32>
      %ge3A = vector.broadcast %select_n3A_774 : vector<1x8xi32> to vector<4096x8xi32>
      %ge3A_775 = arith.cmpi sge, %bitcast_convert_type3A, %ge3A : vector<4096x8xi32>
      %convert_element_type3A_776 = arith.extui %ge3A_775 : vector<4096x8xi1> to vector<4096x8xi32>
      %reduce_sum3A_777 = arith.constant dense<0> : vector<8xi32>
      %reduce_sum3A_778 = vector.multi_reduction <add>, %convert_element_type3A_776, %reduce_sum3A_777 [0] : vector<4096x8xi32> to vector<8xi32>
      %broadcast_in_dim3A_779 = vector.shape_cast %reduce_sum3A_778 : vector<8xi32> to vector<1x8xi32>
      %ge3A_780 = arith.constant 640 : i32
      %ge3A_781 = vector.broadcast %ge3A_780 : i32 to vector<1x8xi32>
      %ge3A_782 = arith.cmpi sge, %broadcast_in_dim3A_779, %ge3A_781 : vector<1x8xi32>
      %select_n3A_783 = arith.select %ge3A_782, %select_n3A_774, %scan3A_744 : vector<1x8xi1>, vector<1x8xi32>
      %select_n3A_784 = arith.select %ge3A_782, %scan3A_745, %select_n3A_774 : vector<1x8xi1>, vector<1x8xi32>
      scf.yield %select_n3A_783, %select_n3A_784 : vector<1x8xi32>, vector<1x8xi32>
    }
    %gt3A = vector.broadcast %scan3A_59#0 : vector<1x8xi32> to vector<4096x8xi32>
    %gt3A_60 = arith.cmpi sgt, %bitcast_convert_type3A, %gt3A : vector<4096x8xi32>
    %eq3A_61 = vector.broadcast %scan3A_59#0 : vector<1x8xi32> to vector<4096x8xi32>
    %eq3A_62 = arith.cmpi eq, %bitcast_convert_type3A, %eq3A_61 : vector<4096x8xi32>
    %gt3A_63 = arith.constant 0 : i32
    %gt3A_64 = vector.broadcast %gt3A_63 : i32 to vector<1x8xi32>
    %gt3A_65 = arith.cmpi sgt, %scan3A_59#0, %gt3A_64 : vector<1x8xi32>
    %and3A = vector.broadcast %gt3A_65 : vector<1x8xi1> to vector<4096x8xi1>
    %and3A_66 = arith.andi %eq3A_62, %and3A : vector<4096x8xi1>
    %convert_element_type3A = arith.extui %gt3A_60 : vector<4096x8xi1> to vector<4096x8xi32>
    %convert_element_type3A_67 = arith.sitofp %convert_element_type3A : vector<4096x8xi32> to vector<4096x8xf32>
    %reduce_sum3A_68 = arith.constant dense<0.000000e+00> : vector<8xf32>
    %reduce_sum3A_69 = vector.multi_reduction <add>, %convert_element_type3A_67, %reduce_sum3A_68 [0] : vector<4096x8xf32> to vector<8xf32>
    %broadcast_in_dim3A_70 = vector.shape_cast %reduce_sum3A_69 : vector<8xf32> to vector<1x8xf32>
    %iota3A_71 = tpu.iota {dimensions = array<i32: 0>} : vector<512x512xi32>
    %iota3A_72 = tpu.iota {dimensions = array<i32: 1>} : vector<512x512xi32>
    %lt3A = arith.cmpi slt, %iota3A_72, %iota3A_71 : vector<512x512xi32>
    %convert_element_type3A_73 = arith.extui %lt3A : vector<512x512xi1> to vector<512x512xi32>
    %convert_element_type3A_74 = arith.sitofp %convert_element_type3A_73 : vector<512x512xi32> to vector<512x512xf32>
    %iota3A_75 = tpu.iota {dimensions = array<i32: 1>} : vector<512x8xi32>
    %mul3A = arith.constant 640 : i32
    %mul3A_76 = vector.broadcast %mul3A : i32 to vector<512x8xi32>
    %mul3A_77 = arith.muli %iota3A_75, %mul3A_76 : vector<512x8xi32>
    %broadcast_in_dim3A_78 = arith.constant 0.000000e+00 : f32
    %broadcast_in_dim3A_79 = vector.broadcast %broadcast_in_dim3A_78 : f32 to vector<1x8xf32>
    %broadcast_in_dim3A_80 = arith.constant 0.000000e+00 : f32
    %broadcast_in_dim3A_81 = vector.broadcast %broadcast_in_dim3A_80 : f32 to vector<1x8xf32>
    %slice3A = vector.extract_strided_slice %and3A_66 {offsets = [0, 0], sizes = [512, 8], strides = [1, 1]} : vector<4096x8xi1> to vector<512x8xi1>
    %slice3A_82 = vector.extract_strided_slice %gt3A_60 {offsets = [0, 0], sizes = [512, 8], strides = [1, 1]} : vector<4096x8xi1> to vector<512x8xi1>
    %convert_element_type3A_83 = arith.extui %slice3A : vector<512x8xi1> to vector<512x8xi32>
    %convert_element_type3A_84 = arith.sitofp %convert_element_type3A_83 : vector<512x8xi32> to vector<512x8xf32>
    %dot_general3A_85 = arith.constant dense<0.000000e+00> : vector<512x8xf32>
    %dot_general3A_86 = tpu.matmul %convert_element_type3A_74, %convert_element_type3A_84, %dot_general3A_85 {dimension_numbers = #tpu.dot_dimension_numbers<[1], [0], [0], [1], [0, 0, 1, 1], [], []>, transpose_lhs_hint = false} : vector<512x512xf32>, vector<512x8xf32>, vector<512x8xf32> -> vector<512x8xf32>
    %add3A_87 = vector.broadcast %broadcast_in_dim3A_79 : vector<1x8xf32> to vector<512x8xf32>
    %add3A_88 = arith.addf %dot_general3A_86, %add3A_87 : vector<512x8xf32>
    %add3A_89 = vector.broadcast %broadcast_in_dim3A_70 : vector<1x8xf32> to vector<512x8xf32>
    %add3A_90 = arith.addf %add3A_89, %add3A_88 : vector<512x8xf32>
    %lt3A_91 = arith.constant 6.400000e+02 : f32
    %lt3A_92 = vector.broadcast %lt3A_91 : f32 to vector<512x8xf32>
    %lt3A_93 = arith.cmpf olt, %add3A_90, %lt3A_92 : vector<512x8xf32>
    %and3A_94 = arith.andi %slice3A, %lt3A_93 : vector<512x8xi1>
    %or3A = arith.ori %slice3A_82, %and3A_94 : vector<512x8xi1>
    %convert_element_type3A_95 = arith.extui %or3A : vector<512x8xi1> to vector<512x8xi32>
    %convert_element_type3A_96 = arith.sitofp %convert_element_type3A_95 : vector<512x8xi32> to vector<512x8xf32>
    %dot_general3A_97 = arith.constant dense<0.000000e+00> : vector<512x8xf32>
    %dot_general3A_98 = tpu.matmul %convert_element_type3A_74, %convert_element_type3A_96, %dot_general3A_97 {dimension_numbers = #tpu.dot_dimension_numbers<[1], [0], [0], [1], [0, 0, 1, 1], [], []>, transpose_lhs_hint = false} : vector<512x512xf32>, vector<512x8xf32>, vector<512x8xf32> -> vector<512x8xf32>
    %add3A_99 = vector.broadcast %broadcast_in_dim3A_81 : vector<1x8xf32> to vector<512x8xf32>
    %add3A_100 = arith.addf %dot_general3A_98, %add3A_99 : vector<512x8xf32>
    %convert_element_type3A_101 = arith.fptosi %add3A_100 : vector<512x8xf32> to vector<512x8xi32>
    %add3A_102 = arith.addi %mul3A_77, %convert_element_type3A_101 : vector<512x8xi32>
    %jit3A_103 = arith.constant 5120 : i32
    %broadcast_in_dim3A_104 = vector.broadcast %jit3A_103 : i32 to vector<512x8xi32>
    %select_n3A_105 = arith.select %or3A, %add3A_102, %broadcast_in_dim3A_104 : vector<512x8xi1>, vector<512x8xi32>
    %slice3A_106 = vector.extract_strided_slice %eq3A_19 {offsets = [0, 0], sizes = [512, 8], strides = [1, 1]} : vector<4096x8xi1> to vector<512x8xi1>
    %slice3A_107 = vector.extract_strided_slice %eq3A_35 {offsets = [0, 0], sizes = [512, 8], strides = [1, 1]} : vector<4096x8xi1> to vector<512x8xi1>
    %broadcast_in_dim3A_108 = arith.constant 0 : i32
    %broadcast_in_dim3A_109 = vector.broadcast %broadcast_in_dim3A_108 : i32 to vector<512x8xi32>
    %select_n3A_110 = arith.select %slice3A_106, %select_n3A_105, %broadcast_in_dim3A_109 : vector<512x8xi1>, vector<512x8xi32>
    %reduce_sum3A_111 = arith.constant dense<0> : vector<512xi32>
    %reduce_sum3A_112 = vector.multi_reduction <add>, %select_n3A_110, %reduce_sum3A_111 [1] : vector<512x8xi32> to vector<512xi32>
    %broadcast_in_dim3A_113 = vector.shape_cast %reduce_sum3A_112 : vector<512xi32> to vector<512x1xi32>
    %select_n3A_114 = arith.select %slice3A_107, %select_n3A_105, %broadcast_in_dim3A_109 : vector<512x8xi1>, vector<512x8xi32>
    %reduce_sum3A_115 = arith.constant dense<0> : vector<512xi32>
    %reduce_sum3A_116 = vector.multi_reduction <add>, %select_n3A_114, %reduce_sum3A_115 [1] : vector<512x8xi32> to vector<512xi32>
    %broadcast_in_dim3A_117 = vector.shape_cast %reduce_sum3A_116 : vector<512xi32> to vector<512x1xi32>
    %lt3A_118 = arith.constant 5120 : i32
    %lt3A_119 = vector.broadcast %lt3A_118 : i32 to vector<512x1xi32>
    %lt3A_120 = arith.cmpi slt, %broadcast_in_dim3A_113, %lt3A_119 : vector<512x1xi32>
    %lt3A_121 = arith.constant 5120 : i32
    %lt3A_122 = vector.broadcast %lt3A_121 : i32 to vector<512x1xi32>
    %lt3A_123 = arith.cmpi slt, %broadcast_in_dim3A_117, %lt3A_122 : vector<512x1xi32>
    %swap3A = arith.constant 0 : index
    %swap3A_124 = arith.constant 0 : index
    %swap3A_125 = vector.load %arg2[%swap3A, %swap3A_124] : memref<4096x1xi32, #tpu.memory_space<vmem>>, vector<512x1xi32>
    tpu.vector_store %arg2[%swap3A, %swap3A_124], %broadcast_in_dim3A_113 {strides = array<i32>} : memref<4096x1xi32, #tpu.memory_space<vmem>>, vector<512x1xi32>,
    %swap3A_126 = arith.constant 0 : index
    %swap3A_127 = arith.constant 0 : index
    %swap3A_128 = vector.load %arg3[%swap3A_126, %swap3A_127] : memref<4096x1xi32, #tpu.memory_space<vmem>>, vector<512x1xi32>
    tpu.vector_store %arg3[%swap3A_126, %swap3A_127], %broadcast_in_dim3A_117 {strides = array<i32>} : memref<4096x1xi32, #tpu.memory_space<vmem>>, vector<512x1xi32>,
    %jit3A_129 = arith.constant 0 : i32
    %broadcast_in_dim3A_130 = vector.broadcast %jit3A_129 : i32 to vector<512x1xi32>
    %select_n3A_131 = arith.select %lt3A_120, %broadcast_in_dim3A_113, %broadcast_in_dim3A_130 : vector<512x1xi1>, vector<512x1xi32>
    %swap3A_132 = arith.constant 0 : index
    %swap3A_133 = arith.constant 0 : index
    %swap3A_134 = vector.load %arg4[%swap3A_132, %swap3A_133] : memref<4096x1xi32, #tpu.memory_space<vmem>>, vector<512x1xi32>
    tpu.vector_store %arg4[%swap3A_132, %swap3A_133], %select_n3A_131 {strides = array<i32>} : memref<4096x1xi32, #tpu.memory_space<vmem>>, vector<512x1xi32>,
    %jit3A_135 = arith.constant 0 : i32
    %broadcast_in_dim3A_136 = vector.broadcast %jit3A_135 : i32 to vector<512x1xi32>
    %select_n3A_137 = arith.select %lt3A_123, %broadcast_in_dim3A_117, %broadcast_in_dim3A_136 : vector<512x1xi1>, vector<512x1xi32>
    %swap3A_138 = arith.constant 0 : index
    %swap3A_139 = arith.constant 0 : index
    %swap3A_140 = vector.load %arg5[%swap3A_138, %swap3A_139] : memref<4096x1xi32, #tpu.memory_space<vmem>>, vector<512x1xi32>
    tpu.vector_store %arg5[%swap3A_138, %swap3A_139], %select_n3A_137 {strides = array<i32>} : memref<4096x1xi32, #tpu.memory_space<vmem>>, vector<512x1xi32>,
    %slice3A_141 = vector.extract_strided_slice %div3A_39 {offsets = [0, 0], sizes = [512, 1], strides = [1, 1]} : vector<4096x1xf32> to vector<512x1xf32>
    %jit3A_142 = arith.constant 0.000000e+00 : f32
    %broadcast_in_dim3A_143 = vector.broadcast %jit3A_142 : f32 to vector<512x1xf32>
    %select_n3A_144 = arith.select %lt3A_120, %slice3A_141, %broadcast_in_dim3A_143 : vector<512x1xi1>, vector<512x1xf32>
    %swap3A_145 = arith.constant 0 : index
    %swap3A_146 = arith.constant 0 : index
    %swap3A_147 = vector.load %arg6[%swap3A_145, %swap3A_146] : memref<4096x1xf32, #tpu.memory_space<vmem>>, vector<512x1xf32>
    tpu.vector_store %arg6[%swap3A_145, %swap3A_146], %select_n3A_144 {strides = array<i32>} : memref<4096x1xf32, #tpu.memory_space<vmem>>, vector<512x1xf32>,
    %slice3A_148 = vector.extract_strided_slice %div3A_40 {offsets = [0, 0], sizes = [512, 1], strides = [1, 1]} : vector<4096x1xf32> to vector<512x1xf32>
    %jit3A_149 = arith.constant 0.000000e+00 : f32
    %broadcast_in_dim3A_150 = vector.broadcast %jit3A_149 : f32 to vector<512x1xf32>
    %select_n3A_151 = arith.select %lt3A_123, %slice3A_148, %broadcast_in_dim3A_150 : vector<512x1xi1>, vector<512x1xf32>
    %swap3A_152 = arith.constant 0 : index
    %swap3A_153 = arith.constant 0 : index
    %swap3A_154 = vector.load %arg7[%swap3A_152, %swap3A_153] : memref<4096x1xf32, #tpu.memory_space<vmem>>, vector<512x1xf32>
    tpu.vector_store %arg7[%swap3A_152, %swap3A_153], %select_n3A_151 {strides = array<i32>} : memref<4096x1xf32, #tpu.memory_space<vmem>>, vector<512x1xf32>,
    %reduce_sum3A_155 = arith.constant dense<0.000000e+00> : vector<8xf32>
    %reduce_sum3A_156 = vector.multi_reduction <add>, %convert_element_type3A_84, %reduce_sum3A_155 [0] : vector<512x8xf32> to vector<8xf32>
    %broadcast_in_dim3A_157 = vector.shape_cast %reduce_sum3A_156 : vector<8xf32> to vector<1x8xf32>
    %add3A_158 = arith.addf %broadcast_in_dim3A_79, %broadcast_in_dim3A_157 : vector<1x8xf32>
    %reduce_sum3A_159 = arith.constant dense<0.000000e+00> : vector<8xf32>
    %reduce_sum3A_160 = vector.multi_reduction <add>, %convert_element_type3A_96, %reduce_sum3A_159 [0] : vector<512x8xf32> to vector<8xf32>
    %broadcast_in_dim3A_161 = vector.shape_cast %reduce_sum3A_160 : vector<8xf32> to vector<1x8xf32>
    %add3A_162 = arith.addf %broadcast_in_dim3A_81, %broadcast_in_dim3A_161 : vector<1x8xf32>
    %slice3A_163 = vector.extract_strided_slice %and3A_66 {offsets = [512, 0], sizes = [512, 8], strides = [1, 1]} : vector<4096x8xi1> to vector<512x8xi1>
    %slice3A_164 = vector.extract_strided_slice %gt3A_60 {offsets = [512, 0], sizes = [512, 8], strides = [1, 1]} : vector<4096x8xi1> to vector<512x8xi1>
    %convert_element_type3A_165 = arith.extui %slice3A_163 : vector<512x8xi1> to vector<512x8xi32>
    %convert_element_type3A_166 = arith.sitofp %convert_element_type3A_165 : vector<512x8xi32> to vector<512x8xf32>
    %dot_general3A_167 = arith.constant dense<0.000000e+00> : vector<512x8xf32>
    %dot_general3A_168 = tpu.matmul %convert_element_type3A_74, %convert_element_type3A_166, %dot_general3A_167 {dimension_numbers = #tpu.dot_dimension_numbers<[1], [0], [0], [1], [0, 0, 1, 1], [], []>, transpose_lhs_hint = false} : vector<512x512xf32>, vector<512x8xf32>, vector<512x8xf32> -> vector<512x8xf32>
    %add3A_169 = vector.broadcast %add3A_158 : vector<1x8xf32> to vector<512x8xf32>
    %add3A_170 = arith.addf %dot_general3A_168, %add3A_169 : vector<512x8xf32>
    %add3A_171 = vector.broadcast %broadcast_in_dim3A_70 : vector<1x8xf32> to vector<512x8xf32>
    %add3A_172 = arith.addf %add3A_171, %add3A_170 : vector<512x8xf32>
    %lt3A_173 = arith.constant 6.400000e+02 : f32
    %lt3A_174 = vector.broadcast %lt3A_173 : f32 to vector<512x8xf32>
    %lt3A_175 = arith.cmpf olt, %add3A_172, %lt3A_174 : vector<512x8xf32>
    %and3A_176 = arith.andi %slice3A_163, %lt3A_175 : vector<512x8xi1>
    %or3A_177 = arith.ori %slice3A_164, %and3A_176 : vector<512x8xi1>
    %convert_element_type3A_178 = arith.extui %or3A_177 : vector<512x8xi1> to vector<512x8xi32>
    %convert_element_type3A_179 = arith.sitofp %convert_element_type3A_178 : vector<512x8xi32> to vector<512x8xf32>
    %dot_general3A_180 = arith.constant dense<0.000000e+00> : vector<512x8xf32>
    %dot_general3A_181 = tpu.matmul %convert_element_type3A_74, %convert_element_type3A_179, %dot_general3A_180 {dimension_numbers = #tpu.dot_dimension_numbers<[1], [0], [0], [1], [0, 0, 1, 1], [], []>, transpose_lhs_hint = false} : vector<512x512xf32>, vector<512x8xf32>, vector<512x8xf32> -> vector<512x8xf32>
    %add3A_182 = vector.broadcast %add3A_162 : vector<1x8xf32> to vector<512x8xf32>
    %add3A_183 = arith.addf %dot_general3A_181, %add3A_182 : vector<512x8xf32>
    %convert_element_type3A_184 = arith.fptosi %add3A_183 : vector<512x8xf32> to vector<512x8xi32>
    %add3A_185 = arith.addi %mul3A_77, %convert_element_type3A_184 : vector<512x8xi32>
    %jit3A_186 = arith.constant 5120 : i32
    %broadcast_in_dim3A_187 = vector.broadcast %jit3A_186 : i32 to vector<512x8xi32>
    %select_n3A_188 = arith.select %or3A_177, %add3A_185, %broadcast_in_dim3A_187 : vector<512x8xi1>, vector<512x8xi32>
    %slice3A_189 = vector.extract_strided_slice %eq3A_19 {offsets = [512, 0], sizes = [512, 8], strides = [1, 1]} : vector<4096x8xi1> to vector<512x8xi1>
    %slice3A_190 = vector.extract_strided_slice %eq3A_35 {offsets = [512, 0], sizes = [512, 8], strides = [1, 1]} : vector<4096x8xi1> to vector<512x8xi1>
    %broadcast_in_dim3A_191 = arith.constant 0 : i32
    %broadcast_in_dim3A_192 = vector.broadcast %broadcast_in_dim3A_191 : i32 to vector<512x8xi32>
    %select_n3A_193 = arith.select %slice3A_189, %select_n3A_188, %broadcast_in_dim3A_192 : vector<512x8xi1>, vector<512x8xi32>
    %reduce_sum3A_194 = arith.constant dense<0> : vector<512xi32>
    %reduce_sum3A_195 = vector.multi_reduction <add>, %select_n3A_193, %reduce_sum3A_194 [1] : vector<512x8xi32> to vector<512xi32>
    %broadcast_in_dim3A_196 = vector.shape_cast %reduce_sum3A_195 : vector<512xi32> to vector<512x1xi32>
    %select_n3A_197 = arith.select %slice3A_190, %select_n3A_188, %broadcast_in_dim3A_192 : vector<512x8xi1>, vector<512x8xi32>
    %reduce_sum3A_198 = arith.constant dense<0> : vector<512xi32>
    %reduce_sum3A_199 = vector.multi_reduction <add>, %select_n3A_197, %reduce_sum3A_198 [1] : vector<512x8xi32> to vector<512xi32>
    %broadcast_in_dim3A_200 = vector.shape_cast %reduce_sum3A_199 : vector<512xi32> to vector<512x1xi32>
    %lt3A_201 = arith.constant 5120 : i32
    %lt3A_202 = vector.broadcast %lt3A_201 : i32 to vector<512x1xi32>
    %lt3A_203 = arith.cmpi slt, %broadcast_in_dim3A_196, %lt3A_202 : vector<512x1xi32>
    %lt3A_204 = arith.constant 5120 : i32
    %lt3A_205 = vector.broadcast %lt3A_204 : i32 to vector<512x1xi32>
    %lt3A_206 = arith.cmpi slt, %broadcast_in_dim3A_200, %lt3A_205 : vector<512x1xi32>
    %swap3A_207 = arith.constant 512 : index
    %swap3A_208 = arith.constant 0 : index
    %swap3A_209 = vector.load %arg2[%swap3A_207, %swap3A_208] : memref<4096x1xi32, #tpu.memory_space<vmem>>, vector<512x1xi32>
    tpu.vector_store %arg2[%swap3A_207, %swap3A_208], %broadcast_in_dim3A_196 {strides = array<i32>} : memref<4096x1xi32, #tpu.memory_space<vmem>>, vector<512x1xi32>,
    %swap3A_210 = arith.constant 512 : index
    %swap3A_211 = arith.constant 0 : index
    %swap3A_212 = vector.load %arg3[%swap3A_210, %swap3A_211] : memref<4096x1xi32, #tpu.memory_space<vmem>>, vector<512x1xi32>
    tpu.vector_store %arg3[%swap3A_210, %swap3A_211], %broadcast_in_dim3A_200 {strides = array<i32>} : memref<4096x1xi32, #tpu.memory_space<vmem>>, vector<512x1xi32>,
    %jit3A_213 = arith.constant 0 : i32
    %broadcast_in_dim3A_214 = vector.broadcast %jit3A_213 : i32 to vector<512x1xi32>
    %select_n3A_215 = arith.select %lt3A_203, %broadcast_in_dim3A_196, %broadcast_in_dim3A_214 : vector<512x1xi1>, vector<512x1xi32>
    %swap3A_216 = arith.constant 512 : index
    %swap3A_217 = arith.constant 0 : index
    %swap3A_218 = vector.load %arg4[%swap3A_216, %swap3A_217] : memref<4096x1xi32, #tpu.memory_space<vmem>>, vector<512x1xi32>
    tpu.vector_store %arg4[%swap3A_216, %swap3A_217], %select_n3A_215 {strides = array<i32>} : memref<4096x1xi32, #tpu.memory_space<vmem>>, vector<512x1xi32>,
    %jit3A_219 = arith.constant 0 : i32
    %broadcast_in_dim3A_220 = vector.broadcast %jit3A_219 : i32 to vector<512x1xi32>
    %select_n3A_221 = arith.select %lt3A_206, %broadcast_in_dim3A_200, %broadcast_in_dim3A_220 : vector<512x1xi1>, vector<512x1xi32>
    %swap3A_222 = arith.constant 512 : index
    %swap3A_223 = arith.constant 0 : index
    %swap3A_224 = vector.load %arg5[%swap3A_222, %swap3A_223] : memref<4096x1xi32, #tpu.memory_space<vmem>>, vector<512x1xi32>
    tpu.vector_store %arg5[%swap3A_222, %swap3A_223], %select_n3A_221 {strides = array<i32>} : memref<4096x1xi32, #tpu.memory_space<vmem>>, vector<512x1xi32>,
    %slice3A_225 = vector.extract_strided_slice %div3A_39 {offsets = [512, 0], sizes = [512, 1], strides = [1, 1]} : vector<4096x1xf32> to vector<512x1xf32>
    %jit3A_226 = arith.constant 0.000000e+00 : f32
    %broadcast_in_dim3A_227 = vector.broadcast %jit3A_226 : f32 to vector<512x1xf32>
    %select_n3A_228 = arith.select %lt3A_203, %slice3A_225, %broadcast_in_dim3A_227 : vector<512x1xi1>, vector<512x1xf32>
    %swap3A_229 = arith.constant 512 : index
    %swap3A_230 = arith.constant 0 : index
    %swap3A_231 = vector.load %arg6[%swap3A_229, %swap3A_230] : memref<4096x1xf32, #tpu.memory_space<vmem>>, vector<512x1xf32>
    tpu.vector_store %arg6[%swap3A_229, %swap3A_230], %select_n3A_228 {strides = array<i32>} : memref<4096x1xf32, #tpu.memory_space<vmem>>, vector<512x1xf32>,
    %slice3A_232 = vector.extract_strided_slice %div3A_40 {offsets = [512, 0], sizes = [512, 1], strides = [1, 1]} : vector<4096x1xf32> to vector<512x1xf32>
    %jit3A_233 = arith.constant 0.000000e+00 : f32
    %broadcast_in_dim3A_234 = vector.broadcast %jit3A_233 : f32 to vector<512x1xf32>
    %select_n3A_235 = arith.select %lt3A_206, %slice3A_232, %broadcast_in_dim3A_234 : vector<512x1xi1>, vector<512x1xf32>
    %swap3A_236 = arith.constant 512 : index
    %swap3A_237 = arith.constant 0 : index
    %swap3A_238 = vector.load %arg7[%swap3A_236, %swap3A_237] : memref<4096x1xf32, #tpu.memory_space<vmem>>, vector<512x1xf32>
    tpu.vector_store %arg7[%swap3A_236, %swap3A_237], %select_n3A_235 {strides = array<i32>} : memref<4096x1xf32, #tpu.memory_space<vmem>>, vector<512x1xf32>,
    %reduce_sum3A_239 = arith.constant dense<0.000000e+00> : vector<8xf32>
    %reduce_sum3A_240 = vector.multi_reduction <add>, %convert_element_type3A_166, %reduce_sum3A_239 [0] : vector<512x8xf32> to vector<8xf32>
    %broadcast_in_dim3A_241 = vector.shape_cast %reduce_sum3A_240 : vector<8xf32> to vector<1x8xf32>
    %add3A_242 = arith.addf %add3A_158, %broadcast_in_dim3A_241 : vector<1x8xf32>
    %reduce_sum3A_243 = arith.constant dense<0.000000e+00> : vector<8xf32>
    %reduce_sum3A_244 = vector.multi_reduction <add>, %convert_element_type3A_179, %reduce_sum3A_243 [0] : vector<512x8xf32> to vector<8xf32>
    %broadcast_in_dim3A_245 = vector.shape_cast %reduce_sum3A_244 : vector<8xf32> to vector<1x8xf32>
    %add3A_246 = arith.addf %add3A_162, %broadcast_in_dim3A_245 : vector<1x8xf32>
    %slice3A_247 = vector.extract_strided_slice %and3A_66 {offsets = [1024, 0], sizes = [512, 8], strides = [1, 1]} : vector<4096x8xi1> to vector<512x8xi1>
    %slice3A_248 = vector.extract_strided_slice %gt3A_60 {offsets = [1024, 0], sizes = [512, 8], strides = [1, 1]} : vector<4096x8xi1> to vector<512x8xi1>
    %convert_element_type3A_249 = arith.extui %slice3A_247 : vector<512x8xi1> to vector<512x8xi32>
    %convert_element_type3A_250 = arith.sitofp %convert_element_type3A_249 : vector<512x8xi32> to vector<512x8xf32>
    %dot_general3A_251 = arith.constant dense<0.000000e+00> : vector<512x8xf32>
    %dot_general3A_252 = tpu.matmul %convert_element_type3A_74, %convert_element_type3A_250, %dot_general3A_251 {dimension_numbers = #tpu.dot_dimension_numbers<[1], [0], [0], [1], [0, 0, 1, 1], [], []>, transpose_lhs_hint = false} : vector<512x512xf32>, vector<512x8xf32>, vector<512x8xf32> -> vector<512x8xf32>
    %add3A_253 = vector.broadcast %add3A_242 : vector<1x8xf32> to vector<512x8xf32>
    %add3A_254 = arith.addf %dot_general3A_252, %add3A_253 : vector<512x8xf32>
    %add3A_255 = vector.broadcast %broadcast_in_dim3A_70 : vector<1x8xf32> to vector<512x8xf32>
    %add3A_256 = arith.addf %add3A_255, %add3A_254 : vector<512x8xf32>
    %lt3A_257 = arith.constant 6.400000e+02 : f32
    %lt3A_258 = vector.broadcast %lt3A_257 : f32 to vector<512x8xf32>
    %lt3A_259 = arith.cmpf olt, %add3A_256, %lt3A_258 : vector<512x8xf32>
    %and3A_260 = arith.andi %slice3A_247, %lt3A_259 : vector<512x8xi1>
    %or3A_261 = arith.ori %slice3A_248, %and3A_260 : vector<512x8xi1>
    %convert_element_type3A_262 = arith.extui %or3A_261 : vector<512x8xi1> to vector<512x8xi32>
    %convert_element_type3A_263 = arith.sitofp %convert_element_type3A_262 : vector<512x8xi32> to vector<512x8xf32>
    %dot_general3A_264 = arith.constant dense<0.000000e+00> : vector<512x8xf32>
    %dot_general3A_265 = tpu.matmul %convert_element_type3A_74, %convert_element_type3A_263, %dot_general3A_264 {dimension_numbers = #tpu.dot_dimension_numbers<[1], [0], [0], [1], [0, 0, 1, 1], [], []>, transpose_lhs_hint = false} : vector<512x512xf32>, vector<512x8xf32>, vector<512x8xf32> -> vector<512x8xf32>
    %add3A_266 = vector.broadcast %add3A_246 : vector<1x8xf32> to vector<512x8xf32>
    %add3A_267 = arith.addf %dot_general3A_265, %add3A_266 : vector<512x8xf32>
    %convert_element_type3A_268 = arith.fptosi %add3A_267 : vector<512x8xf32> to vector<512x8xi32>
    %add3A_269 = arith.addi %mul3A_77, %convert_element_type3A_268 : vector<512x8xi32>
    %jit3A_270 = arith.constant 5120 : i32
    %broadcast_in_dim3A_271 = vector.broadcast %jit3A_270 : i32 to vector<512x8xi32>
    %select_n3A_272 = arith.select %or3A_261, %add3A_269, %broadcast_in_dim3A_271 : vector<512x8xi1>, vector<512x8xi32>
    %slice3A_273 = vector.extract_strided_slice %eq3A_19 {offsets = [1024, 0], sizes = [512, 8], strides = [1, 1]} : vector<4096x8xi1> to vector<512x8xi1>
    %slice3A_274 = vector.extract_strided_slice %eq3A_35 {offsets = [1024, 0], sizes = [512, 8], strides = [1, 1]} : vector<4096x8xi1> to vector<512x8xi1>
    %broadcast_in_dim3A_275 = arith.constant 0 : i32
    %broadcast_in_dim3A_276 = vector.broadcast %broadcast_in_dim3A_275 : i32 to vector<512x8xi32>
    %select_n3A_277 = arith.select %slice3A_273, %select_n3A_272, %broadcast_in_dim3A_276 : vector<512x8xi1>, vector<512x8xi32>
    %reduce_sum3A_278 = arith.constant dense<0> : vector<512xi32>
    %reduce_sum3A_279 = vector.multi_reduction <add>, %select_n3A_277, %reduce_sum3A_278 [1] : vector<512x8xi32> to vector<512xi32>
    %broadcast_in_dim3A_280 = vector.shape_cast %reduce_sum3A_279 : vector<512xi32> to vector<512x1xi32>
    %select_n3A_281 = arith.select %slice3A_274, %select_n3A_272, %broadcast_in_dim3A_276 : vector<512x8xi1>, vector<512x8xi32>
    %reduce_sum3A_282 = arith.constant dense<0> : vector<512xi32>
    %reduce_sum3A_283 = vector.multi_reduction <add>, %select_n3A_281, %reduce_sum3A_282 [1] : vector<512x8xi32> to vector<512xi32>
    %broadcast_in_dim3A_284 = vector.shape_cast %reduce_sum3A_283 : vector<512xi32> to vector<512x1xi32>
    %lt3A_285 = arith.constant 5120 : i32
    %lt3A_286 = vector.broadcast %lt3A_285 : i32 to vector<512x1xi32>
    %lt3A_287 = arith.cmpi slt, %broadcast_in_dim3A_280, %lt3A_286 : vector<512x1xi32>
    %lt3A_288 = arith.constant 5120 : i32
    %lt3A_289 = vector.broadcast %lt3A_288 : i32 to vector<512x1xi32>
    %lt3A_290 = arith.cmpi slt, %broadcast_in_dim3A_284, %lt3A_289 : vector<512x1xi32>
    %swap3A_291 = arith.constant 1024 : index
    %swap3A_292 = arith.constant 0 : index
    %swap3A_293 = vector.load %arg2[%swap3A_291, %swap3A_292] : memref<4096x1xi32, #tpu.memory_space<vmem>>, vector<512x1xi32>
    tpu.vector_store %arg2[%swap3A_291, %swap3A_292], %broadcast_in_dim3A_280 {strides = array<i32>} : memref<4096x1xi32, #tpu.memory_space<vmem>>, vector<512x1xi32>,
    %swap3A_294 = arith.constant 1024 : index
    %swap3A_295 = arith.constant 0 : index
    %swap3A_296 = vector.load %arg3[%swap3A_294, %swap3A_295] : memref<4096x1xi32, #tpu.memory_space<vmem>>, vector<512x1xi32>
    tpu.vector_store %arg3[%swap3A_294, %swap3A_295], %broadcast_in_dim3A_284 {strides = array<i32>} : memref<4096x1xi32, #tpu.memory_space<vmem>>, vector<512x1xi32>,
    %jit3A_297 = arith.constant 0 : i32
    %broadcast_in_dim3A_298 = vector.broadcast %jit3A_297 : i32 to vector<512x1xi32>
    %select_n3A_299 = arith.select %lt3A_287, %broadcast_in_dim3A_280, %broadcast_in_dim3A_298 : vector<512x1xi1>, vector<512x1xi32>
    %swap3A_300 = arith.constant 1024 : index
    %swap3A_301 = arith.constant 0 : index
    %swap3A_302 = vector.load %arg4[%swap3A_300, %swap3A_301] : memref<4096x1xi32, #tpu.memory_space<vmem>>, vector<512x1xi32>
    tpu.vector_store %arg4[%swap3A_300, %swap3A_301], %select_n3A_299 {strides = array<i32>} : memref<4096x1xi32, #tpu.memory_space<vmem>>, vector<512x1xi32>,
    %jit3A_303 = arith.constant 0 : i32
    %broadcast_in_dim3A_304 = vector.broadcast %jit3A_303 : i32 to vector<512x1xi32>
    %select_n3A_305 = arith.select %lt3A_290, %broadcast_in_dim3A_284, %broadcast_in_dim3A_304 : vector<512x1xi1>, vector<512x1xi32>
    %swap3A_306 = arith.constant 1024 : index
    %swap3A_307 = arith.constant 0 : index
    %swap3A_308 = vector.load %arg5[%swap3A_306, %swap3A_307] : memref<4096x1xi32, #tpu.memory_space<vmem>>, vector<512x1xi32>
    tpu.vector_store %arg5[%swap3A_306, %swap3A_307], %select_n3A_305 {strides = array<i32>} : memref<4096x1xi32, #tpu.memory_space<vmem>>, vector<512x1xi32>,
    %slice3A_309 = vector.extract_strided_slice %div3A_39 {offsets = [1024, 0], sizes = [512, 1], strides = [1, 1]} : vector<4096x1xf32> to vector<512x1xf32>
    %jit3A_310 = arith.constant 0.000000e+00 : f32
    %broadcast_in_dim3A_311 = vector.broadcast %jit3A_310 : f32 to vector<512x1xf32>
    %select_n3A_312 = arith.select %lt3A_287, %slice3A_309, %broadcast_in_dim3A_311 : vector<512x1xi1>, vector<512x1xf32>
    %swap3A_313 = arith.constant 1024 : index
    %swap3A_314 = arith.constant 0 : index
    %swap3A_315 = vector.load %arg6[%swap3A_313, %swap3A_314] : memref<4096x1xf32, #tpu.memory_space<vmem>>, vector<512x1xf32>
    tpu.vector_store %arg6[%swap3A_313, %swap3A_314], %select_n3A_312 {strides = array<i32>} : memref<4096x1xf32, #tpu.memory_space<vmem>>, vector<512x1xf32>,
    %slice3A_316 = vector.extract_strided_slice %div3A_40 {offsets = [1024, 0], sizes = [512, 1], strides = [1, 1]} : vector<4096x1xf32> to vector<512x1xf32>
    %jit3A_317 = arith.constant 0.000000e+00 : f32
    %broadcast_in_dim3A_318 = vector.broadcast %jit3A_317 : f32 to vector<512x1xf32>
    %select_n3A_319 = arith.select %lt3A_290, %slice3A_316, %broadcast_in_dim3A_318 : vector<512x1xi1>, vector<512x1xf32>
    %swap3A_320 = arith.constant 1024 : index
    %swap3A_321 = arith.constant 0 : index
    %swap3A_322 = vector.load %arg7[%swap3A_320, %swap3A_321] : memref<4096x1xf32, #tpu.memory_space<vmem>>, vector<512x1xf32>
    tpu.vector_store %arg7[%swap3A_320, %swap3A_321], %select_n3A_319 {strides = array<i32>} : memref<4096x1xf32, #tpu.memory_space<vmem>>, vector<512x1xf32>,
    %reduce_sum3A_323 = arith.constant dense<0.000000e+00> : vector<8xf32>
    %reduce_sum3A_324 = vector.multi_reduction <add>, %convert_element_type3A_250, %reduce_sum3A_323 [0] : vector<512x8xf32> to vector<8xf32>
    %broadcast_in_dim3A_325 = vector.shape_cast %reduce_sum3A_324 : vector<8xf32> to vector<1x8xf32>
    %add3A_326 = arith.addf %add3A_242, %broadcast_in_dim3A_325 : vector<1x8xf32>
    %reduce_sum3A_327 = arith.constant dense<0.000000e+00> : vector<8xf32>
    %reduce_sum3A_328 = vector.multi_reduction <add>, %convert_element_type3A_263, %reduce_sum3A_327 [0] : vector<512x8xf32> to vector<8xf32>
    %broadcast_in_dim3A_329 = vector.shape_cast %reduce_sum3A_328 : vector<8xf32> to vector<1x8xf32>
    %add3A_330 = arith.addf %add3A_246, %broadcast_in_dim3A_329 : vector<1x8xf32>
    %slice3A_331 = vector.extract_strided_slice %and3A_66 {offsets = [1536, 0], sizes = [512, 8], strides = [1, 1]} : vector<4096x8xi1> to vector<512x8xi1>
    %slice3A_332 = vector.extract_strided_slice %gt3A_60 {offsets = [1536, 0], sizes = [512, 8], strides = [1, 1]} : vector<4096x8xi1> to vector<512x8xi1>
    %convert_element_type3A_333 = arith.extui %slice3A_331 : vector<512x8xi1> to vector<512x8xi32>
    %convert_element_type3A_334 = arith.sitofp %convert_element_type3A_333 : vector<512x8xi32> to vector<512x8xf32>
    %dot_general3A_335 = arith.constant dense<0.000000e+00> : vector<512x8xf32>
    %dot_general3A_336 = tpu.matmul %convert_element_type3A_74, %convert_element_type3A_334, %dot_general3A_335 {dimension_numbers = #tpu.dot_dimension_numbers<[1], [0], [0], [1], [0, 0, 1, 1], [], []>, transpose_lhs_hint = false} : vector<512x512xf32>, vector<512x8xf32>, vector<512x8xf32> -> vector<512x8xf32>
    %add3A_337 = vector.broadcast %add3A_326 : vector<1x8xf32> to vector<512x8xf32>
    %add3A_338 = arith.addf %dot_general3A_336, %add3A_337 : vector<512x8xf32>
    %add3A_339 = vector.broadcast %broadcast_in_dim3A_70 : vector<1x8xf32> to vector<512x8xf32>
    %add3A_340 = arith.addf %add3A_339, %add3A_338 : vector<512x8xf32>
    %lt3A_341 = arith.constant 6.400000e+02 : f32
    %lt3A_342 = vector.broadcast %lt3A_341 : f32 to vector<512x8xf32>
    %lt3A_343 = arith.cmpf olt, %add3A_340, %lt3A_342 : vector<512x8xf32>
    %and3A_344 = arith.andi %slice3A_331, %lt3A_343 : vector<512x8xi1>
    %or3A_345 = arith.ori %slice3A_332, %and3A_344 : vector<512x8xi1>
    %convert_element_type3A_346 = arith.extui %or3A_345 : vector<512x8xi1> to vector<512x8xi32>
    %convert_element_type3A_347 = arith.sitofp %convert_element_type3A_346 : vector<512x8xi32> to vector<512x8xf32>
    %dot_general3A_348 = arith.constant dense<0.000000e+00> : vector<512x8xf32>
    %dot_general3A_349 = tpu.matmul %convert_element_type3A_74, %convert_element_type3A_347, %dot_general3A_348 {dimension_numbers = #tpu.dot_dimension_numbers<[1], [0], [0], [1], [0, 0, 1, 1], [], []>, transpose_lhs_hint = false} : vector<512x512xf32>, vector<512x8xf32>, vector<512x8xf32> -> vector<512x8xf32>
    %add3A_350 = vector.broadcast %add3A_330 : vector<1x8xf32> to vector<512x8xf32>
    %add3A_351 = arith.addf %dot_general3A_349, %add3A_350 : vector<512x8xf32>
    %convert_element_type3A_352 = arith.fptosi %add3A_351 : vector<512x8xf32> to vector<512x8xi32>
    %add3A_353 = arith.addi %mul3A_77, %convert_element_type3A_352 : vector<512x8xi32>
    %jit3A_354 = arith.constant 5120 : i32
    %broadcast_in_dim3A_355 = vector.broadcast %jit3A_354 : i32 to vector<512x8xi32>
    %select_n3A_356 = arith.select %or3A_345, %add3A_353, %broadcast_in_dim3A_355 : vector<512x8xi1>, vector<512x8xi32>
    %slice3A_357 = vector.extract_strided_slice %eq3A_19 {offsets = [1536, 0], sizes = [512, 8], strides = [1, 1]} : vector<4096x8xi1> to vector<512x8xi1>
    %slice3A_358 = vector.extract_strided_slice %eq3A_35 {offsets = [1536, 0], sizes = [512, 8], strides = [1, 1]} : vector<4096x8xi1> to vector<512x8xi1>
    %broadcast_in_dim3A_359 = arith.constant 0 : i32
    %broadcast_in_dim3A_360 = vector.broadcast %broadcast_in_dim3A_359 : i32 to vector<512x8xi32>
    %select_n3A_361 = arith.select %slice3A_357, %select_n3A_356, %broadcast_in_dim3A_360 : vector<512x8xi1>, vector<512x8xi32>
    %reduce_sum3A_362 = arith.constant dense<0> : vector<512xi32>
    %reduce_sum3A_363 = vector.multi_reduction <add>, %select_n3A_361, %reduce_sum3A_362 [1] : vector<512x8xi32> to vector<512xi32>
    %broadcast_in_dim3A_364 = vector.shape_cast %reduce_sum3A_363 : vector<512xi32> to vector<512x1xi32>
    %select_n3A_365 = arith.select %slice3A_358, %select_n3A_356, %broadcast_in_dim3A_360 : vector<512x8xi1>, vector<512x8xi32>
    %reduce_sum3A_366 = arith.constant dense<0> : vector<512xi32>
    %reduce_sum3A_367 = vector.multi_reduction <add>, %select_n3A_365, %reduce_sum3A_366 [1] : vector<512x8xi32> to vector<512xi32>
    %broadcast_in_dim3A_368 = vector.shape_cast %reduce_sum3A_367 : vector<512xi32> to vector<512x1xi32>
    %lt3A_369 = arith.constant 5120 : i32
    %lt3A_370 = vector.broadcast %lt3A_369 : i32 to vector<512x1xi32>
    %lt3A_371 = arith.cmpi slt, %broadcast_in_dim3A_364, %lt3A_370 : vector<512x1xi32>
    %lt3A_372 = arith.constant 5120 : i32
    %lt3A_373 = vector.broadcast %lt3A_372 : i32 to vector<512x1xi32>
    %lt3A_374 = arith.cmpi slt, %broadcast_in_dim3A_368, %lt3A_373 : vector<512x1xi32>
    %swap3A_375 = arith.constant 1536 : index
    %swap3A_376 = arith.constant 0 : index
    %swap3A_377 = vector.load %arg2[%swap3A_375, %swap3A_376] : memref<4096x1xi32, #tpu.memory_space<vmem>>, vector<512x1xi32>
    tpu.vector_store %arg2[%swap3A_375, %swap3A_376], %broadcast_in_dim3A_364 {strides = array<i32>} : memref<4096x1xi32, #tpu.memory_space<vmem>>, vector<512x1xi32>,
    %swap3A_378 = arith.constant 1536 : index
    %swap3A_379 = arith.constant 0 : index
    %swap3A_380 = vector.load %arg3[%swap3A_378, %swap3A_379] : memref<4096x1xi32, #tpu.memory_space<vmem>>, vector<512x1xi32>
    tpu.vector_store %arg3[%swap3A_378, %swap3A_379], %broadcast_in_dim3A_368 {strides = array<i32>} : memref<4096x1xi32, #tpu.memory_space<vmem>>, vector<512x1xi32>,
    %jit3A_381 = arith.constant 0 : i32
    %broadcast_in_dim3A_382 = vector.broadcast %jit3A_381 : i32 to vector<512x1xi32>
    %select_n3A_383 = arith.select %lt3A_371, %broadcast_in_dim3A_364, %broadcast_in_dim3A_382 : vector<512x1xi1>, vector<512x1xi32>
    %swap3A_384 = arith.constant 1536 : index
    %swap3A_385 = arith.constant 0 : index
    %swap3A_386 = vector.load %arg4[%swap3A_384, %swap3A_385] : memref<4096x1xi32, #tpu.memory_space<vmem>>, vector<512x1xi32>
    tpu.vector_store %arg4[%swap3A_384, %swap3A_385], %select_n3A_383 {strides = array<i32>} : memref<4096x1xi32, #tpu.memory_space<vmem>>, vector<512x1xi32>,
    %jit3A_387 = arith.constant 0 : i32
    %broadcast_in_dim3A_388 = vector.broadcast %jit3A_387 : i32 to vector<512x1xi32>
    %select_n3A_389 = arith.select %lt3A_374, %broadcast_in_dim3A_368, %broadcast_in_dim3A_388 : vector<512x1xi1>, vector<512x1xi32>
    %swap3A_390 = arith.constant 1536 : index
    %swap3A_391 = arith.constant 0 : index
    %swap3A_392 = vector.load %arg5[%swap3A_390, %swap3A_391] : memref<4096x1xi32, #tpu.memory_space<vmem>>, vector<512x1xi32>
    tpu.vector_store %arg5[%swap3A_390, %swap3A_391], %select_n3A_389 {strides = array<i32>} : memref<4096x1xi32, #tpu.memory_space<vmem>>, vector<512x1xi32>,
    %slice3A_393 = vector.extract_strided_slice %div3A_39 {offsets = [1536, 0], sizes = [512, 1], strides = [1, 1]} : vector<4096x1xf32> to vector<512x1xf32>
    %jit3A_394 = arith.constant 0.000000e+00 : f32
    %broadcast_in_dim3A_395 = vector.broadcast %jit3A_394 : f32 to vector<512x1xf32>
    %select_n3A_396 = arith.select %lt3A_371, %slice3A_393, %broadcast_in_dim3A_395 : vector<512x1xi1>, vector<512x1xf32>
    %swap3A_397 = arith.constant 1536 : index
    %swap3A_398 = arith.constant 0 : index
    %swap3A_399 = vector.load %arg6[%swap3A_397, %swap3A_398] : memref<4096x1xf32, #tpu.memory_space<vmem>>, vector<512x1xf32>
    tpu.vector_store %arg6[%swap3A_397, %swap3A_398], %select_n3A_396 {strides = array<i32>} : memref<4096x1xf32, #tpu.memory_space<vmem>>, vector<512x1xf32>,
    %slice3A_400 = vector.extract_strided_slice %div3A_40 {offsets = [1536, 0], sizes = [512, 1], strides = [1, 1]} : vector<4096x1xf32> to vector<512x1xf32>
    %jit3A_401 = arith.constant 0.000000e+00 : f32
    %broadcast_in_dim3A_402 = vector.broadcast %jit3A_401 : f32 to vector<512x1xf32>
    %select_n3A_403 = arith.select %lt3A_374, %slice3A_400, %broadcast_in_dim3A_402 : vector<512x1xi1>, vector<512x1xf32>
    %swap3A_404 = arith.constant 1536 : index
    %swap3A_405 = arith.constant 0 : index
    %swap3A_406 = vector.load %arg7[%swap3A_404, %swap3A_405] : memref<4096x1xf32, #tpu.memory_space<vmem>>, vector<512x1xf32>
    tpu.vector_store %arg7[%swap3A_404, %swap3A_405], %select_n3A_403 {strides = array<i32>} : memref<4096x1xf32, #tpu.memory_space<vmem>>, vector<512x1xf32>,
    %reduce_sum3A_407 = arith.constant dense<0.000000e+00> : vector<8xf32>
    %reduce_sum3A_408 = vector.multi_reduction <add>, %convert_element_type3A_334, %reduce_sum3A_407 [0] : vector<512x8xf32> to vector<8xf32>
    %broadcast_in_dim3A_409 = vector.shape_cast %reduce_sum3A_408 : vector<8xf32> to vector<1x8xf32>
    %add3A_410 = arith.addf %add3A_326, %broadcast_in_dim3A_409 : vector<1x8xf32>
    %reduce_sum3A_411 = arith.constant dense<0.000000e+00> : vector<8xf32>
    %reduce_sum3A_412 = vector.multi_reduction <add>, %convert_element_type3A_347, %reduce_sum3A_411 [0] : vector<512x8xf32> to vector<8xf32>
    %broadcast_in_dim3A_413 = vector.shape_cast %reduce_sum3A_412 : vector<8xf32> to vector<1x8xf32>
    %add3A_414 = arith.addf %add3A_330, %broadcast_in_dim3A_413 : vector<1x8xf32>
    %slice3A_415 = vector.extract_strided_slice %and3A_66 {offsets = [2048, 0], sizes = [512, 8], strides = [1, 1]} : vector<4096x8xi1> to vector<512x8xi1>
    %slice3A_416 = vector.extract_strided_slice %gt3A_60 {offsets = [2048, 0], sizes = [512, 8], strides = [1, 1]} : vector<4096x8xi1> to vector<512x8xi1>
    %convert_element_type3A_417 = arith.extui %slice3A_415 : vector<512x8xi1> to vector<512x8xi32>
    %convert_element_type3A_418 = arith.sitofp %convert_element_type3A_417 : vector<512x8xi32> to vector<512x8xf32>
    %dot_general3A_419 = arith.constant dense<0.000000e+00> : vector<512x8xf32>
    %dot_general3A_420 = tpu.matmul %convert_element_type3A_74, %convert_element_type3A_418, %dot_general3A_419 {dimension_numbers = #tpu.dot_dimension_numbers<[1], [0], [0], [1], [0, 0, 1, 1], [], []>, transpose_lhs_hint = false} : vector<512x512xf32>, vector<512x8xf32>, vector<512x8xf32> -> vector<512x8xf32>
    %add3A_421 = vector.broadcast %add3A_410 : vector<1x8xf32> to vector<512x8xf32>
    %add3A_422 = arith.addf %dot_general3A_420, %add3A_421 : vector<512x8xf32>
    %add3A_423 = vector.broadcast %broadcast_in_dim3A_70 : vector<1x8xf32> to vector<512x8xf32>
    %add3A_424 = arith.addf %add3A_423, %add3A_422 : vector<512x8xf32>
    %lt3A_425 = arith.constant 6.400000e+02 : f32
    %lt3A_426 = vector.broadcast %lt3A_425 : f32 to vector<512x8xf32>
    %lt3A_427 = arith.cmpf olt, %add3A_424, %lt3A_426 : vector<512x8xf32>
    %and3A_428 = arith.andi %slice3A_415, %lt3A_427 : vector<512x8xi1>
    %or3A_429 = arith.ori %slice3A_416, %and3A_428 : vector<512x8xi1>
    %convert_element_type3A_430 = arith.extui %or3A_429 : vector<512x8xi1> to vector<512x8xi32>
    %convert_element_type3A_431 = arith.sitofp %convert_element_type3A_430 : vector<512x8xi32> to vector<512x8xf32>
    %dot_general3A_432 = arith.constant dense<0.000000e+00> : vector<512x8xf32>
    %dot_general3A_433 = tpu.matmul %convert_element_type3A_74, %convert_element_type3A_431, %dot_general3A_432 {dimension_numbers = #tpu.dot_dimension_numbers<[1], [0], [0], [1], [0, 0, 1, 1], [], []>, transpose_lhs_hint = false} : vector<512x512xf32>, vector<512x8xf32>, vector<512x8xf32> -> vector<512x8xf32>
    %add3A_434 = vector.broadcast %add3A_414 : vector<1x8xf32> to vector<512x8xf32>
    %add3A_435 = arith.addf %dot_general3A_433, %add3A_434 : vector<512x8xf32>
    %convert_element_type3A_436 = arith.fptosi %add3A_435 : vector<512x8xf32> to vector<512x8xi32>
    %add3A_437 = arith.addi %mul3A_77, %convert_element_type3A_436 : vector<512x8xi32>
    %jit3A_438 = arith.constant 5120 : i32
    %broadcast_in_dim3A_439 = vector.broadcast %jit3A_438 : i32 to vector<512x8xi32>
    %select_n3A_440 = arith.select %or3A_429, %add3A_437, %broadcast_in_dim3A_439 : vector<512x8xi1>, vector<512x8xi32>
    %slice3A_441 = vector.extract_strided_slice %eq3A_19 {offsets = [2048, 0], sizes = [512, 8], strides = [1, 1]} : vector<4096x8xi1> to vector<512x8xi1>
    %slice3A_442 = vector.extract_strided_slice %eq3A_35 {offsets = [2048, 0], sizes = [512, 8], strides = [1, 1]} : vector<4096x8xi1> to vector<512x8xi1>
    %broadcast_in_dim3A_443 = arith.constant 0 : i32
    %broadcast_in_dim3A_444 = vector.broadcast %broadcast_in_dim3A_443 : i32 to vector<512x8xi32>
    %select_n3A_445 = arith.select %slice3A_441, %select_n3A_440, %broadcast_in_dim3A_444 : vector<512x8xi1>, vector<512x8xi32>
    %reduce_sum3A_446 = arith.constant dense<0> : vector<512xi32>
    %reduce_sum3A_447 = vector.multi_reduction <add>, %select_n3A_445, %reduce_sum3A_446 [1] : vector<512x8xi32> to vector<512xi32>
    %broadcast_in_dim3A_448 = vector.shape_cast %reduce_sum3A_447 : vector<512xi32> to vector<512x1xi32>
    %select_n3A_449 = arith.select %slice3A_442, %select_n3A_440, %broadcast_in_dim3A_444 : vector<512x8xi1>, vector<512x8xi32>
    %reduce_sum3A_450 = arith.constant dense<0> : vector<512xi32>
    %reduce_sum3A_451 = vector.multi_reduction <add>, %select_n3A_449, %reduce_sum3A_450 [1] : vector<512x8xi32> to vector<512xi32>
    %broadcast_in_dim3A_452 = vector.shape_cast %reduce_sum3A_451 : vector<512xi32> to vector<512x1xi32>
    %lt3A_453 = arith.constant 5120 : i32
    %lt3A_454 = vector.broadcast %lt3A_453 : i32 to vector<512x1xi32>
    %lt3A_455 = arith.cmpi slt, %broadcast_in_dim3A_448, %lt3A_454 : vector<512x1xi32>
    %lt3A_456 = arith.constant 5120 : i32
    %lt3A_457 = vector.broadcast %lt3A_456 : i32 to vector<512x1xi32>
    %lt3A_458 = arith.cmpi slt, %broadcast_in_dim3A_452, %lt3A_457 : vector<512x1xi32>
    %swap3A_459 = arith.constant 2048 : index
    %swap3A_460 = arith.constant 0 : index
    %swap3A_461 = vector.load %arg2[%swap3A_459, %swap3A_460] : memref<4096x1xi32, #tpu.memory_space<vmem>>, vector<512x1xi32>
    tpu.vector_store %arg2[%swap3A_459, %swap3A_460], %broadcast_in_dim3A_448 {strides = array<i32>} : memref<4096x1xi32, #tpu.memory_space<vmem>>, vector<512x1xi32>,
    %swap3A_462 = arith.constant 2048 : index
    %swap3A_463 = arith.constant 0 : index
    %swap3A_464 = vector.load %arg3[%swap3A_462, %swap3A_463] : memref<4096x1xi32, #tpu.memory_space<vmem>>, vector<512x1xi32>
    tpu.vector_store %arg3[%swap3A_462, %swap3A_463], %broadcast_in_dim3A_452 {strides = array<i32>} : memref<4096x1xi32, #tpu.memory_space<vmem>>, vector<512x1xi32>,
    %jit3A_465 = arith.constant 0 : i32
    %broadcast_in_dim3A_466 = vector.broadcast %jit3A_465 : i32 to vector<512x1xi32>
    %select_n3A_467 = arith.select %lt3A_455, %broadcast_in_dim3A_448, %broadcast_in_dim3A_466 : vector<512x1xi1>, vector<512x1xi32>
    %swap3A_468 = arith.constant 2048 : index
    %swap3A_469 = arith.constant 0 : index
    %swap3A_470 = vector.load %arg4[%swap3A_468, %swap3A_469] : memref<4096x1xi32, #tpu.memory_space<vmem>>, vector<512x1xi32>
    tpu.vector_store %arg4[%swap3A_468, %swap3A_469], %select_n3A_467 {strides = array<i32>} : memref<4096x1xi32, #tpu.memory_space<vmem>>, vector<512x1xi32>,
    %jit3A_471 = arith.constant 0 : i32
    %broadcast_in_dim3A_472 = vector.broadcast %jit3A_471 : i32 to vector<512x1xi32>
    %select_n3A_473 = arith.select %lt3A_458, %broadcast_in_dim3A_452, %broadcast_in_dim3A_472 : vector<512x1xi1>, vector<512x1xi32>
    %swap3A_474 = arith.constant 2048 : index
    %swap3A_475 = arith.constant 0 : index
    %swap3A_476 = vector.load %arg5[%swap3A_474, %swap3A_475] : memref<4096x1xi32, #tpu.memory_space<vmem>>, vector<512x1xi32>
    tpu.vector_store %arg5[%swap3A_474, %swap3A_475], %select_n3A_473 {strides = array<i32>} : memref<4096x1xi32, #tpu.memory_space<vmem>>, vector<512x1xi32>,
    %slice3A_477 = vector.extract_strided_slice %div3A_39 {offsets = [2048, 0], sizes = [512, 1], strides = [1, 1]} : vector<4096x1xf32> to vector<512x1xf32>
    %jit3A_478 = arith.constant 0.000000e+00 : f32
    %broadcast_in_dim3A_479 = vector.broadcast %jit3A_478 : f32 to vector<512x1xf32>
    %select_n3A_480 = arith.select %lt3A_455, %slice3A_477, %broadcast_in_dim3A_479 : vector<512x1xi1>, vector<512x1xf32>
    %swap3A_481 = arith.constant 2048 : index
    %swap3A_482 = arith.constant 0 : index
    %swap3A_483 = vector.load %arg6[%swap3A_481, %swap3A_482] : memref<4096x1xf32, #tpu.memory_space<vmem>>, vector<512x1xf32>
    tpu.vector_store %arg6[%swap3A_481, %swap3A_482], %select_n3A_480 {strides = array<i32>} : memref<4096x1xf32, #tpu.memory_space<vmem>>, vector<512x1xf32>,
    %slice3A_484 = vector.extract_strided_slice %div3A_40 {offsets = [2048, 0], sizes = [512, 1], strides = [1, 1]} : vector<4096x1xf32> to vector<512x1xf32>
    %jit3A_485 = arith.constant 0.000000e+00 : f32
    %broadcast_in_dim3A_486 = vector.broadcast %jit3A_485 : f32 to vector<512x1xf32>
    %select_n3A_487 = arith.select %lt3A_458, %slice3A_484, %broadcast_in_dim3A_486 : vector<512x1xi1>, vector<512x1xf32>
    %swap3A_488 = arith.constant 2048 : index
    %swap3A_489 = arith.constant 0 : index
    %swap3A_490 = vector.load %arg7[%swap3A_488, %swap3A_489] : memref<4096x1xf32, #tpu.memory_space<vmem>>, vector<512x1xf32>
    tpu.vector_store %arg7[%swap3A_488, %swap3A_489], %select_n3A_487 {strides = array<i32>} : memref<4096x1xf32, #tpu.memory_space<vmem>>, vector<512x1xf32>,
    %reduce_sum3A_491 = arith.constant dense<0.000000e+00> : vector<8xf32>
    %reduce_sum3A_492 = vector.multi_reduction <add>, %convert_element_type3A_418, %reduce_sum3A_491 [0] : vector<512x8xf32> to vector<8xf32>
    %broadcast_in_dim3A_493 = vector.shape_cast %reduce_sum3A_492 : vector<8xf32> to vector<1x8xf32>
    %add3A_494 = arith.addf %add3A_410, %broadcast_in_dim3A_493 : vector<1x8xf32>
    %reduce_sum3A_495 = arith.constant dense<0.000000e+00> : vector<8xf32>
    %reduce_sum3A_496 = vector.multi_reduction <add>, %convert_element_type3A_431, %reduce_sum3A_495 [0] : vector<512x8xf32> to vector<8xf32>
    %broadcast_in_dim3A_497 = vector.shape_cast %reduce_sum3A_496 : vector<8xf32> to vector<1x8xf32>
    %add3A_498 = arith.addf %add3A_414, %broadcast_in_dim3A_497 : vector<1x8xf32>
    %slice3A_499 = vector.extract_strided_slice %and3A_66 {offsets = [2560, 0], sizes = [512, 8], strides = [1, 1]} : vector<4096x8xi1> to vector<512x8xi1>
    %slice3A_500 = vector.extract_strided_slice %gt3A_60 {offsets = [2560, 0], sizes = [512, 8], strides = [1, 1]} : vector<4096x8xi1> to vector<512x8xi1>
    %convert_element_type3A_501 = arith.extui %slice3A_499 : vector<512x8xi1> to vector<512x8xi32>
    %convert_element_type3A_502 = arith.sitofp %convert_element_type3A_501 : vector<512x8xi32> to vector<512x8xf32>
    %dot_general3A_503 = arith.constant dense<0.000000e+00> : vector<512x8xf32>
    %dot_general3A_504 = tpu.matmul %convert_element_type3A_74, %convert_element_type3A_502, %dot_general3A_503 {dimension_numbers = #tpu.dot_dimension_numbers<[1], [0], [0], [1], [0, 0, 1, 1], [], []>, transpose_lhs_hint = false} : vector<512x512xf32>, vector<512x8xf32>, vector<512x8xf32> -> vector<512x8xf32>
    %add3A_505 = vector.broadcast %add3A_494 : vector<1x8xf32> to vector<512x8xf32>
    %add3A_506 = arith.addf %dot_general3A_504, %add3A_505 : vector<512x8xf32>
    %add3A_507 = vector.broadcast %broadcast_in_dim3A_70 : vector<1x8xf32> to vector<512x8xf32>
    %add3A_508 = arith.addf %add3A_507, %add3A_506 : vector<512x8xf32>
    %lt3A_509 = arith.constant 6.400000e+02 : f32
    %lt3A_510 = vector.broadcast %lt3A_509 : f32 to vector<512x8xf32>
    %lt3A_511 = arith.cmpf olt, %add3A_508, %lt3A_510 : vector<512x8xf32>
    %and3A_512 = arith.andi %slice3A_499, %lt3A_511 : vector<512x8xi1>
    %or3A_513 = arith.ori %slice3A_500, %and3A_512 : vector<512x8xi1>
    %convert_element_type3A_514 = arith.extui %or3A_513 : vector<512x8xi1> to vector<512x8xi32>
    %convert_element_type3A_515 = arith.sitofp %convert_element_type3A_514 : vector<512x8xi32> to vector<512x8xf32>
    %dot_general3A_516 = arith.constant dense<0.000000e+00> : vector<512x8xf32>
    %dot_general3A_517 = tpu.matmul %convert_element_type3A_74, %convert_element_type3A_515, %dot_general3A_516 {dimension_numbers = #tpu.dot_dimension_numbers<[1], [0], [0], [1], [0, 0, 1, 1], [], []>, transpose_lhs_hint = false} : vector<512x512xf32>, vector<512x8xf32>, vector<512x8xf32> -> vector<512x8xf32>
    %add3A_518 = vector.broadcast %add3A_498 : vector<1x8xf32> to vector<512x8xf32>
    %add3A_519 = arith.addf %dot_general3A_517, %add3A_518 : vector<512x8xf32>
    %convert_element_type3A_520 = arith.fptosi %add3A_519 : vector<512x8xf32> to vector<512x8xi32>
    %add3A_521 = arith.addi %mul3A_77, %convert_element_type3A_520 : vector<512x8xi32>
    %jit3A_522 = arith.constant 5120 : i32
    %broadcast_in_dim3A_523 = vector.broadcast %jit3A_522 : i32 to vector<512x8xi32>
    %select_n3A_524 = arith.select %or3A_513, %add3A_521, %broadcast_in_dim3A_523 : vector<512x8xi1>, vector<512x8xi32>
    %slice3A_525 = vector.extract_strided_slice %eq3A_19 {offsets = [2560, 0], sizes = [512, 8], strides = [1, 1]} : vector<4096x8xi1> to vector<512x8xi1>
    %slice3A_526 = vector.extract_strided_slice %eq3A_35 {offsets = [2560, 0], sizes = [512, 8], strides = [1, 1]} : vector<4096x8xi1> to vector<512x8xi1>
    %broadcast_in_dim3A_527 = arith.constant 0 : i32
    %broadcast_in_dim3A_528 = vector.broadcast %broadcast_in_dim3A_527 : i32 to vector<512x8xi32>
    %select_n3A_529 = arith.select %slice3A_525, %select_n3A_524, %broadcast_in_dim3A_528 : vector<512x8xi1>, vector<512x8xi32>
    %reduce_sum3A_530 = arith.constant dense<0> : vector<512xi32>
    %reduce_sum3A_531 = vector.multi_reduction <add>, %select_n3A_529, %reduce_sum3A_530 [1] : vector<512x8xi32> to vector<512xi32>
    %broadcast_in_dim3A_532 = vector.shape_cast %reduce_sum3A_531 : vector<512xi32> to vector<512x1xi32>
    %select_n3A_533 = arith.select %slice3A_526, %select_n3A_524, %broadcast_in_dim3A_528 : vector<512x8xi1>, vector<512x8xi32>
    %reduce_sum3A_534 = arith.constant dense<0> : vector<512xi32>
    %reduce_sum3A_535 = vector.multi_reduction <add>, %select_n3A_533, %reduce_sum3A_534 [1] : vector<512x8xi32> to vector<512xi32>
    %broadcast_in_dim3A_536 = vector.shape_cast %reduce_sum3A_535 : vector<512xi32> to vector<512x1xi32>
    %lt3A_537 = arith.constant 5120 : i32
    %lt3A_538 = vector.broadcast %lt3A_537 : i32 to vector<512x1xi32>
    %lt3A_539 = arith.cmpi slt, %broadcast_in_dim3A_532, %lt3A_538 : vector<512x1xi32>
    %lt3A_540 = arith.constant 5120 : i32
    %lt3A_541 = vector.broadcast %lt3A_540 : i32 to vector<512x1xi32>
    %lt3A_542 = arith.cmpi slt, %broadcast_in_dim3A_536, %lt3A_541 : vector<512x1xi32>
    %swap3A_543 = arith.constant 2560 : index
    %swap3A_544 = arith.constant 0 : index
    %swap3A_545 = vector.load %arg2[%swap3A_543, %swap3A_544] : memref<4096x1xi32, #tpu.memory_space<vmem>>, vector<512x1xi32>
    tpu.vector_store %arg2[%swap3A_543, %swap3A_544], %broadcast_in_dim3A_532 {strides = array<i32>} : memref<4096x1xi32, #tpu.memory_space<vmem>>, vector<512x1xi32>,
    %swap3A_546 = arith.constant 2560 : index
    %swap3A_547 = arith.constant 0 : index
    %swap3A_548 = vector.load %arg3[%swap3A_546, %swap3A_547] : memref<4096x1xi32, #tpu.memory_space<vmem>>, vector<512x1xi32>
    tpu.vector_store %arg3[%swap3A_546, %swap3A_547], %broadcast_in_dim3A_536 {strides = array<i32>} : memref<4096x1xi32, #tpu.memory_space<vmem>>, vector<512x1xi32>,
    %jit3A_549 = arith.constant 0 : i32
    %broadcast_in_dim3A_550 = vector.broadcast %jit3A_549 : i32 to vector<512x1xi32>
    %select_n3A_551 = arith.select %lt3A_539, %broadcast_in_dim3A_532, %broadcast_in_dim3A_550 : vector<512x1xi1>, vector<512x1xi32>
    %swap3A_552 = arith.constant 2560 : index
    %swap3A_553 = arith.constant 0 : index
    %swap3A_554 = vector.load %arg4[%swap3A_552, %swap3A_553] : memref<4096x1xi32, #tpu.memory_space<vmem>>, vector<512x1xi32>
    tpu.vector_store %arg4[%swap3A_552, %swap3A_553], %select_n3A_551 {strides = array<i32>} : memref<4096x1xi32, #tpu.memory_space<vmem>>, vector<512x1xi32>,
    %jit3A_555 = arith.constant 0 : i32
    %broadcast_in_dim3A_556 = vector.broadcast %jit3A_555 : i32 to vector<512x1xi32>
    %select_n3A_557 = arith.select %lt3A_542, %broadcast_in_dim3A_536, %broadcast_in_dim3A_556 : vector<512x1xi1>, vector<512x1xi32>
    %swap3A_558 = arith.constant 2560 : index
    %swap3A_559 = arith.constant 0 : index
    %swap3A_560 = vector.load %arg5[%swap3A_558, %swap3A_559] : memref<4096x1xi32, #tpu.memory_space<vmem>>, vector<512x1xi32>
    tpu.vector_store %arg5[%swap3A_558, %swap3A_559], %select_n3A_557 {strides = array<i32>} : memref<4096x1xi32, #tpu.memory_space<vmem>>, vector<512x1xi32>,
    %slice3A_561 = vector.extract_strided_slice %div3A_39 {offsets = [2560, 0], sizes = [512, 1], strides = [1, 1]} : vector<4096x1xf32> to vector<512x1xf32>
    %jit3A_562 = arith.constant 0.000000e+00 : f32
    %broadcast_in_dim3A_563 = vector.broadcast %jit3A_562 : f32 to vector<512x1xf32>
    %select_n3A_564 = arith.select %lt3A_539, %slice3A_561, %broadcast_in_dim3A_563 : vector<512x1xi1>, vector<512x1xf32>
    %swap3A_565 = arith.constant 2560 : index
    %swap3A_566 = arith.constant 0 : index
    %swap3A_567 = vector.load %arg6[%swap3A_565, %swap3A_566] : memref<4096x1xf32, #tpu.memory_space<vmem>>, vector<512x1xf32>
    tpu.vector_store %arg6[%swap3A_565, %swap3A_566], %select_n3A_564 {strides = array<i32>} : memref<4096x1xf32, #tpu.memory_space<vmem>>, vector<512x1xf32>,
    %slice3A_568 = vector.extract_strided_slice %div3A_40 {offsets = [2560, 0], sizes = [512, 1], strides = [1, 1]} : vector<4096x1xf32> to vector<512x1xf32>
    %jit3A_569 = arith.constant 0.000000e+00 : f32
    %broadcast_in_dim3A_570 = vector.broadcast %jit3A_569 : f32 to vector<512x1xf32>
    %select_n3A_571 = arith.select %lt3A_542, %slice3A_568, %broadcast_in_dim3A_570 : vector<512x1xi1>, vector<512x1xf32>
    %swap3A_572 = arith.constant 2560 : index
    %swap3A_573 = arith.constant 0 : index
    %swap3A_574 = vector.load %arg7[%swap3A_572, %swap3A_573] : memref<4096x1xf32, #tpu.memory_space<vmem>>, vector<512x1xf32>
    tpu.vector_store %arg7[%swap3A_572, %swap3A_573], %select_n3A_571 {strides = array<i32>} : memref<4096x1xf32, #tpu.memory_space<vmem>>, vector<512x1xf32>,
    %reduce_sum3A_575 = arith.constant dense<0.000000e+00> : vector<8xf32>
    %reduce_sum3A_576 = vector.multi_reduction <add>, %convert_element_type3A_502, %reduce_sum3A_575 [0] : vector<512x8xf32> to vector<8xf32>
    %broadcast_in_dim3A_577 = vector.shape_cast %reduce_sum3A_576 : vector<8xf32> to vector<1x8xf32>
    %add3A_578 = arith.addf %add3A_494, %broadcast_in_dim3A_577 : vector<1x8xf32>
    %reduce_sum3A_579 = arith.constant dense<0.000000e+00> : vector<8xf32>
    %reduce_sum3A_580 = vector.multi_reduction <add>, %convert_element_type3A_515, %reduce_sum3A_579 [0] : vector<512x8xf32> to vector<8xf32>
    %broadcast_in_dim3A_581 = vector.shape_cast %reduce_sum3A_580 : vector<8xf32> to vector<1x8xf32>
    %add3A_582 = arith.addf %add3A_498, %broadcast_in_dim3A_581 : vector<1x8xf32>
    %slice3A_583 = vector.extract_strided_slice %and3A_66 {offsets = [3072, 0], sizes = [512, 8], strides = [1, 1]} : vector<4096x8xi1> to vector<512x8xi1>
    %slice3A_584 = vector.extract_strided_slice %gt3A_60 {offsets = [3072, 0], sizes = [512, 8], strides = [1, 1]} : vector<4096x8xi1> to vector<512x8xi1>
    %convert_element_type3A_585 = arith.extui %slice3A_583 : vector<512x8xi1> to vector<512x8xi32>
    %convert_element_type3A_586 = arith.sitofp %convert_element_type3A_585 : vector<512x8xi32> to vector<512x8xf32>
    %dot_general3A_587 = arith.constant dense<0.000000e+00> : vector<512x8xf32>
    %dot_general3A_588 = tpu.matmul %convert_element_type3A_74, %convert_element_type3A_586, %dot_general3A_587 {dimension_numbers = #tpu.dot_dimension_numbers<[1], [0], [0], [1], [0, 0, 1, 1], [], []>, transpose_lhs_hint = false} : vector<512x512xf32>, vector<512x8xf32>, vector<512x8xf32> -> vector<512x8xf32>
    %add3A_589 = vector.broadcast %add3A_578 : vector<1x8xf32> to vector<512x8xf32>
    %add3A_590 = arith.addf %dot_general3A_588, %add3A_589 : vector<512x8xf32>
    %add3A_591 = vector.broadcast %broadcast_in_dim3A_70 : vector<1x8xf32> to vector<512x8xf32>
    %add3A_592 = arith.addf %add3A_591, %add3A_590 : vector<512x8xf32>
    %lt3A_593 = arith.constant 6.400000e+02 : f32
    %lt3A_594 = vector.broadcast %lt3A_593 : f32 to vector<512x8xf32>
    %lt3A_595 = arith.cmpf olt, %add3A_592, %lt3A_594 : vector<512x8xf32>
    %and3A_596 = arith.andi %slice3A_583, %lt3A_595 : vector<512x8xi1>
    %or3A_597 = arith.ori %slice3A_584, %and3A_596 : vector<512x8xi1>
    %convert_element_type3A_598 = arith.extui %or3A_597 : vector<512x8xi1> to vector<512x8xi32>
    %convert_element_type3A_599 = arith.sitofp %convert_element_type3A_598 : vector<512x8xi32> to vector<512x8xf32>
    %dot_general3A_600 = arith.constant dense<0.000000e+00> : vector<512x8xf32>
    %dot_general3A_601 = tpu.matmul %convert_element_type3A_74, %convert_element_type3A_599, %dot_general3A_600 {dimension_numbers = #tpu.dot_dimension_numbers<[1], [0], [0], [1], [0, 0, 1, 1], [], []>, transpose_lhs_hint = false} : vector<512x512xf32>, vector<512x8xf32>, vector<512x8xf32> -> vector<512x8xf32>
    %add3A_602 = vector.broadcast %add3A_582 : vector<1x8xf32> to vector<512x8xf32>
    %add3A_603 = arith.addf %dot_general3A_601, %add3A_602 : vector<512x8xf32>
    %convert_element_type3A_604 = arith.fptosi %add3A_603 : vector<512x8xf32> to vector<512x8xi32>
    %add3A_605 = arith.addi %mul3A_77, %convert_element_type3A_604 : vector<512x8xi32>
    %jit3A_606 = arith.constant 5120 : i32
    %broadcast_in_dim3A_607 = vector.broadcast %jit3A_606 : i32 to vector<512x8xi32>
    %select_n3A_608 = arith.select %or3A_597, %add3A_605, %broadcast_in_dim3A_607 : vector<512x8xi1>, vector<512x8xi32>
    %slice3A_609 = vector.extract_strided_slice %eq3A_19 {offsets = [3072, 0], sizes = [512, 8], strides = [1, 1]} : vector<4096x8xi1> to vector<512x8xi1>
    %slice3A_610 = vector.extract_strided_slice %eq3A_35 {offsets = [3072, 0], sizes = [512, 8], strides = [1, 1]} : vector<4096x8xi1> to vector<512x8xi1>
    %broadcast_in_dim3A_611 = arith.constant 0 : i32
    %broadcast_in_dim3A_612 = vector.broadcast %broadcast_in_dim3A_611 : i32 to vector<512x8xi32>
    %select_n3A_613 = arith.select %slice3A_609, %select_n3A_608, %broadcast_in_dim3A_612 : vector<512x8xi1>, vector<512x8xi32>
    %reduce_sum3A_614 = arith.constant dense<0> : vector<512xi32>
    %reduce_sum3A_615 = vector.multi_reduction <add>, %select_n3A_613, %reduce_sum3A_614 [1] : vector<512x8xi32> to vector<512xi32>
    %broadcast_in_dim3A_616 = vector.shape_cast %reduce_sum3A_615 : vector<512xi32> to vector<512x1xi32>
    %select_n3A_617 = arith.select %slice3A_610, %select_n3A_608, %broadcast_in_dim3A_612 : vector<512x8xi1>, vector<512x8xi32>
    %reduce_sum3A_618 = arith.constant dense<0> : vector<512xi32>
    %reduce_sum3A_619 = vector.multi_reduction <add>, %select_n3A_617, %reduce_sum3A_618 [1] : vector<512x8xi32> to vector<512xi32>
    %broadcast_in_dim3A_620 = vector.shape_cast %reduce_sum3A_619 : vector<512xi32> to vector<512x1xi32>
    %lt3A_621 = arith.constant 5120 : i32
    %lt3A_622 = vector.broadcast %lt3A_621 : i32 to vector<512x1xi32>
    %lt3A_623 = arith.cmpi slt, %broadcast_in_dim3A_616, %lt3A_622 : vector<512x1xi32>
    %lt3A_624 = arith.constant 5120 : i32
    %lt3A_625 = vector.broadcast %lt3A_624 : i32 to vector<512x1xi32>
    %lt3A_626 = arith.cmpi slt, %broadcast_in_dim3A_620, %lt3A_625 : vector<512x1xi32>
    %swap3A_627 = arith.constant 3072 : index
    %swap3A_628 = arith.constant 0 : index
    %swap3A_629 = vector.load %arg2[%swap3A_627, %swap3A_628] : memref<4096x1xi32, #tpu.memory_space<vmem>>, vector<512x1xi32>
    tpu.vector_store %arg2[%swap3A_627, %swap3A_628], %broadcast_in_dim3A_616 {strides = array<i32>} : memref<4096x1xi32, #tpu.memory_space<vmem>>, vector<512x1xi32>,
    %swap3A_630 = arith.constant 3072 : index
    %swap3A_631 = arith.constant 0 : index
    %swap3A_632 = vector.load %arg3[%swap3A_630, %swap3A_631] : memref<4096x1xi32, #tpu.memory_space<vmem>>, vector<512x1xi32>
    tpu.vector_store %arg3[%swap3A_630, %swap3A_631], %broadcast_in_dim3A_620 {strides = array<i32>} : memref<4096x1xi32, #tpu.memory_space<vmem>>, vector<512x1xi32>,
    %jit3A_633 = arith.constant 0 : i32
    %broadcast_in_dim3A_634 = vector.broadcast %jit3A_633 : i32 to vector<512x1xi32>
    %select_n3A_635 = arith.select %lt3A_623, %broadcast_in_dim3A_616, %broadcast_in_dim3A_634 : vector<512x1xi1>, vector<512x1xi32>
    %swap3A_636 = arith.constant 3072 : index
    %swap3A_637 = arith.constant 0 : index
    %swap3A_638 = vector.load %arg4[%swap3A_636, %swap3A_637] : memref<4096x1xi32, #tpu.memory_space<vmem>>, vector<512x1xi32>
    tpu.vector_store %arg4[%swap3A_636, %swap3A_637], %select_n3A_635 {strides = array<i32>} : memref<4096x1xi32, #tpu.memory_space<vmem>>, vector<512x1xi32>,
    %jit3A_639 = arith.constant 0 : i32
    %broadcast_in_dim3A_640 = vector.broadcast %jit3A_639 : i32 to vector<512x1xi32>
    %select_n3A_641 = arith.select %lt3A_626, %broadcast_in_dim3A_620, %broadcast_in_dim3A_640 : vector<512x1xi1>, vector<512x1xi32>
    %swap3A_642 = arith.constant 3072 : index
    %swap3A_643 = arith.constant 0 : index
    %swap3A_644 = vector.load %arg5[%swap3A_642, %swap3A_643] : memref<4096x1xi32, #tpu.memory_space<vmem>>, vector<512x1xi32>
    tpu.vector_store %arg5[%swap3A_642, %swap3A_643], %select_n3A_641 {strides = array<i32>} : memref<4096x1xi32, #tpu.memory_space<vmem>>, vector<512x1xi32>,
    %slice3A_645 = vector.extract_strided_slice %div3A_39 {offsets = [3072, 0], sizes = [512, 1], strides = [1, 1]} : vector<4096x1xf32> to vector<512x1xf32>
    %jit3A_646 = arith.constant 0.000000e+00 : f32
    %broadcast_in_dim3A_647 = vector.broadcast %jit3A_646 : f32 to vector<512x1xf32>
    %select_n3A_648 = arith.select %lt3A_623, %slice3A_645, %broadcast_in_dim3A_647 : vector<512x1xi1>, vector<512x1xf32>
    %swap3A_649 = arith.constant 3072 : index
    %swap3A_650 = arith.constant 0 : index
    %swap3A_651 = vector.load %arg6[%swap3A_649, %swap3A_650] : memref<4096x1xf32, #tpu.memory_space<vmem>>, vector<512x1xf32>
    tpu.vector_store %arg6[%swap3A_649, %swap3A_650], %select_n3A_648 {strides = array<i32>} : memref<4096x1xf32, #tpu.memory_space<vmem>>, vector<512x1xf32>,
    %slice3A_652 = vector.extract_strided_slice %div3A_40 {offsets = [3072, 0], sizes = [512, 1], strides = [1, 1]} : vector<4096x1xf32> to vector<512x1xf32>
    %jit3A_653 = arith.constant 0.000000e+00 : f32
    %broadcast_in_dim3A_654 = vector.broadcast %jit3A_653 : f32 to vector<512x1xf32>
    %select_n3A_655 = arith.select %lt3A_626, %slice3A_652, %broadcast_in_dim3A_654 : vector<512x1xi1>, vector<512x1xf32>
    %swap3A_656 = arith.constant 3072 : index
    %swap3A_657 = arith.constant 0 : index
    %swap3A_658 = vector.load %arg7[%swap3A_656, %swap3A_657] : memref<4096x1xf32, #tpu.memory_space<vmem>>, vector<512x1xf32>
    tpu.vector_store %arg7[%swap3A_656, %swap3A_657], %select_n3A_655 {strides = array<i32>} : memref<4096x1xf32, #tpu.memory_space<vmem>>, vector<512x1xf32>,
    %reduce_sum3A_659 = arith.constant dense<0.000000e+00> : vector<8xf32>
    %reduce_sum3A_660 = vector.multi_reduction <add>, %convert_element_type3A_586, %reduce_sum3A_659 [0] : vector<512x8xf32> to vector<8xf32>
    %broadcast_in_dim3A_661 = vector.shape_cast %reduce_sum3A_660 : vector<8xf32> to vector<1x8xf32>
    %add3A_662 = arith.addf %add3A_578, %broadcast_in_dim3A_661 : vector<1x8xf32>
    %reduce_sum3A_663 = arith.constant dense<0.000000e+00> : vector<8xf32>
    %reduce_sum3A_664 = vector.multi_reduction <add>, %convert_element_type3A_599, %reduce_sum3A_663 [0] : vector<512x8xf32> to vector<8xf32>
    %broadcast_in_dim3A_665 = vector.shape_cast %reduce_sum3A_664 : vector<8xf32> to vector<1x8xf32>
    %add3A_666 = arith.addf %add3A_582, %broadcast_in_dim3A_665 : vector<1x8xf32>
    %slice3A_667 = vector.extract_strided_slice %and3A_66 {offsets = [3584, 0], sizes = [512, 8], strides = [1, 1]} : vector<4096x8xi1> to vector<512x8xi1>
    %slice3A_668 = vector.extract_strided_slice %gt3A_60 {offsets = [3584, 0], sizes = [512, 8], strides = [1, 1]} : vector<4096x8xi1> to vector<512x8xi1>
    %convert_element_type3A_669 = arith.extui %slice3A_667 : vector<512x8xi1> to vector<512x8xi32>
    %convert_element_type3A_670 = arith.sitofp %convert_element_type3A_669 : vector<512x8xi32> to vector<512x8xf32>
    %dot_general3A_671 = arith.constant dense<0.000000e+00> : vector<512x8xf32>
    %dot_general3A_672 = tpu.matmul %convert_element_type3A_74, %convert_element_type3A_670, %dot_general3A_671 {dimension_numbers = #tpu.dot_dimension_numbers<[1], [0], [0], [1], [0, 0, 1, 1], [], []>, transpose_lhs_hint = false} : vector<512x512xf32>, vector<512x8xf32>, vector<512x8xf32> -> vector<512x8xf32>
    %add3A_673 = vector.broadcast %add3A_662 : vector<1x8xf32> to vector<512x8xf32>
    %add3A_674 = arith.addf %dot_general3A_672, %add3A_673 : vector<512x8xf32>
    %add3A_675 = vector.broadcast %broadcast_in_dim3A_70 : vector<1x8xf32> to vector<512x8xf32>
    %add3A_676 = arith.addf %add3A_675, %add3A_674 : vector<512x8xf32>
    %lt3A_677 = arith.constant 6.400000e+02 : f32
    %lt3A_678 = vector.broadcast %lt3A_677 : f32 to vector<512x8xf32>
    %lt3A_679 = arith.cmpf olt, %add3A_676, %lt3A_678 : vector<512x8xf32>
    %and3A_680 = arith.andi %slice3A_667, %lt3A_679 : vector<512x8xi1>
    %or3A_681 = arith.ori %slice3A_668, %and3A_680 : vector<512x8xi1>
    %convert_element_type3A_682 = arith.extui %or3A_681 : vector<512x8xi1> to vector<512x8xi32>
    %convert_element_type3A_683 = arith.sitofp %convert_element_type3A_682 : vector<512x8xi32> to vector<512x8xf32>
    %dot_general3A_684 = arith.constant dense<0.000000e+00> : vector<512x8xf32>
    %dot_general3A_685 = tpu.matmul %convert_element_type3A_74, %convert_element_type3A_683, %dot_general3A_684 {dimension_numbers = #tpu.dot_dimension_numbers<[1], [0], [0], [1], [0, 0, 1, 1], [], []>, transpose_lhs_hint = false} : vector<512x512xf32>, vector<512x8xf32>, vector<512x8xf32> -> vector<512x8xf32>
    %add3A_686 = vector.broadcast %add3A_666 : vector<1x8xf32> to vector<512x8xf32>
    %add3A_687 = arith.addf %dot_general3A_685, %add3A_686 : vector<512x8xf32>
    %convert_element_type3A_688 = arith.fptosi %add3A_687 : vector<512x8xf32> to vector<512x8xi32>
    %add3A_689 = arith.addi %mul3A_77, %convert_element_type3A_688 : vector<512x8xi32>
    %jit3A_690 = arith.constant 5120 : i32
    %broadcast_in_dim3A_691 = vector.broadcast %jit3A_690 : i32 to vector<512x8xi32>
    %select_n3A_692 = arith.select %or3A_681, %add3A_689, %broadcast_in_dim3A_691 : vector<512x8xi1>, vector<512x8xi32>
    %slice3A_693 = vector.extract_strided_slice %eq3A_19 {offsets = [3584, 0], sizes = [512, 8], strides = [1, 1]} : vector<4096x8xi1> to vector<512x8xi1>
    %slice3A_694 = vector.extract_strided_slice %eq3A_35 {offsets = [3584, 0], sizes = [512, 8], strides = [1, 1]} : vector<4096x8xi1> to vector<512x8xi1>
    %broadcast_in_dim3A_695 = arith.constant 0 : i32
    %broadcast_in_dim3A_696 = vector.broadcast %broadcast_in_dim3A_695 : i32 to vector<512x8xi32>
    %select_n3A_697 = arith.select %slice3A_693, %select_n3A_692, %broadcast_in_dim3A_696 : vector<512x8xi1>, vector<512x8xi32>
    %reduce_sum3A_698 = arith.constant dense<0> : vector<512xi32>
    %reduce_sum3A_699 = vector.multi_reduction <add>, %select_n3A_697, %reduce_sum3A_698 [1] : vector<512x8xi32> to vector<512xi32>
    %broadcast_in_dim3A_700 = vector.shape_cast %reduce_sum3A_699 : vector<512xi32> to vector<512x1xi32>
    %select_n3A_701 = arith.select %slice3A_694, %select_n3A_692, %broadcast_in_dim3A_696 : vector<512x8xi1>, vector<512x8xi32>
    %reduce_sum3A_702 = arith.constant dense<0> : vector<512xi32>
    %reduce_sum3A_703 = vector.multi_reduction <add>, %select_n3A_701, %reduce_sum3A_702 [1] : vector<512x8xi32> to vector<512xi32>
    %broadcast_in_dim3A_704 = vector.shape_cast %reduce_sum3A_703 : vector<512xi32> to vector<512x1xi32>
    %lt3A_705 = arith.constant 5120 : i32
    %lt3A_706 = vector.broadcast %lt3A_705 : i32 to vector<512x1xi32>
    %lt3A_707 = arith.cmpi slt, %broadcast_in_dim3A_700, %lt3A_706 : vector<512x1xi32>
    %lt3A_708 = arith.constant 5120 : i32
    %lt3A_709 = vector.broadcast %lt3A_708 : i32 to vector<512x1xi32>
    %lt3A_710 = arith.cmpi slt, %broadcast_in_dim3A_704, %lt3A_709 : vector<512x1xi32>
    %swap3A_711 = arith.constant 3584 : index
    %swap3A_712 = arith.constant 0 : index
    %swap3A_713 = vector.load %arg2[%swap3A_711, %swap3A_712] : memref<4096x1xi32, #tpu.memory_space<vmem>>, vector<512x1xi32>
    tpu.vector_store %arg2[%swap3A_711, %swap3A_712], %broadcast_in_dim3A_700 {strides = array<i32>} : memref<4096x1xi32, #tpu.memory_space<vmem>>, vector<512x1xi32>,
    %swap3A_714 = arith.constant 3584 : index
    %swap3A_715 = arith.constant 0 : index
    %swap3A_716 = vector.load %arg3[%swap3A_714, %swap3A_715] : memref<4096x1xi32, #tpu.memory_space<vmem>>, vector<512x1xi32>
    tpu.vector_store %arg3[%swap3A_714, %swap3A_715], %broadcast_in_dim3A_704 {strides = array<i32>} : memref<4096x1xi32, #tpu.memory_space<vmem>>, vector<512x1xi32>,
    %jit3A_717 = arith.constant 0 : i32
    %broadcast_in_dim3A_718 = vector.broadcast %jit3A_717 : i32 to vector<512x1xi32>
    %select_n3A_719 = arith.select %lt3A_707, %broadcast_in_dim3A_700, %broadcast_in_dim3A_718 : vector<512x1xi1>, vector<512x1xi32>
    %swap3A_720 = arith.constant 3584 : index
    %swap3A_721 = arith.constant 0 : index
    %swap3A_722 = vector.load %arg4[%swap3A_720, %swap3A_721] : memref<4096x1xi32, #tpu.memory_space<vmem>>, vector<512x1xi32>
    tpu.vector_store %arg4[%swap3A_720, %swap3A_721], %select_n3A_719 {strides = array<i32>} : memref<4096x1xi32, #tpu.memory_space<vmem>>, vector<512x1xi32>,
    %jit3A_723 = arith.constant 0 : i32
    %broadcast_in_dim3A_724 = vector.broadcast %jit3A_723 : i32 to vector<512x1xi32>
    %select_n3A_725 = arith.select %lt3A_710, %broadcast_in_dim3A_704, %broadcast_in_dim3A_724 : vector<512x1xi1>, vector<512x1xi32>
    %swap3A_726 = arith.constant 3584 : index
    %swap3A_727 = arith.constant 0 : index
    %swap3A_728 = vector.load %arg5[%swap3A_726, %swap3A_727] : memref<4096x1xi32, #tpu.memory_space<vmem>>, vector<512x1xi32>
    tpu.vector_store %arg5[%swap3A_726, %swap3A_727], %select_n3A_725 {strides = array<i32>} : memref<4096x1xi32, #tpu.memory_space<vmem>>, vector<512x1xi32>,
    %slice3A_729 = vector.extract_strided_slice %div3A_39 {offsets = [3584, 0], sizes = [512, 1], strides = [1, 1]} : vector<4096x1xf32> to vector<512x1xf32>
    %jit3A_730 = arith.constant 0.000000e+00 : f32
    %broadcast_in_dim3A_731 = vector.broadcast %jit3A_730 : f32 to vector<512x1xf32>
    %select_n3A_732 = arith.select %lt3A_707, %slice3A_729, %broadcast_in_dim3A_731 : vector<512x1xi1>, vector<512x1xf32>
    %swap3A_733 = arith.constant 3584 : index
    %swap3A_734 = arith.constant 0 : index
    %swap3A_735 = vector.load %arg6[%swap3A_733, %swap3A_734] : memref<4096x1xf32, #tpu.memory_space<vmem>>, vector<512x1xf32>
    tpu.vector_store %arg6[%swap3A_733, %swap3A_734], %select_n3A_732 {strides = array<i32>} : memref<4096x1xf32, #tpu.memory_space<vmem>>, vector<512x1xf32>,
    %slice3A_736 = vector.extract_strided_slice %div3A_40 {offsets = [3584, 0], sizes = [512, 1], strides = [1, 1]} : vector<4096x1xf32> to vector<512x1xf32>
    %jit3A_737 = arith.constant 0.000000e+00 : f32
    %broadcast_in_dim3A_738 = vector.broadcast %jit3A_737 : f32 to vector<512x1xf32>
    %select_n3A_739 = arith.select %lt3A_710, %slice3A_736, %broadcast_in_dim3A_738 : vector<512x1xi1>, vector<512x1xf32>
    %swap3A_740 = arith.constant 3584 : index
    %swap3A_741 = arith.constant 0 : index
    %swap3A_742 = vector.load %arg7[%swap3A_740, %swap3A_741] : memref<4096x1xf32, #tpu.memory_space<vmem>>, vector<512x1xf32>
    tpu.vector_store %arg7[%swap3A_740, %swap3A_741], %select_n3A_739 {strides = array<i32>} : memref<4096x1xf32, #tpu.memory_space<vmem>>, vector<512x1xf32>,
    return
  }
}

module attributes {stable_mosaic.version = 14 : i64} {
  func.func @_combine_body(%arg0: i32, %arg1: memref<512x1024xf32, #tpu.memory_space<vmem>>, %arg2: memref<512x1024xf32, #tpu.memory_space<vmem>>, %arg3: memref<512x1xf32, #tpu.memory_space<vmem>>, %arg4: memref<512x1xf32, #tpu.memory_space<vmem>>, %arg5: memref<512x1024xf32, #tpu.memory_space<vmem>>) attributes {dimension_semantics = [#tpu.dimension_semantics<arbitrary>], iteration_bounds = array<i64: 8>, scalar_prefetch = 0 : i64, scratch_operands = 0 : i64, tpu.core_type = #tpu.core_type<tc>, window_params = [{transform_indices = @transform_0, window_bounds = array<i64: 512, 1024>}, {transform_indices = @transform_1, window_bounds = array<i64: 512, 1024>}, {transform_indices = @transform_2, window_bounds = array<i64: 512, 1>}, {transform_indices = @transform_3, window_bounds = array<i64: 512, 1>}, {transform_indices = @transform_4, window_bounds = array<i64: 512, 1024>}]} {
    %get3A = arith.constant 0 : index
    %get3A_0 = arith.constant 0 : index
    %get3A_1 = vector.load %arg3[%get3A, %get3A_0] : memref<512x1xf32, #tpu.memory_space<vmem>>, vector<512x1xf32>
    %get3A_2 = arith.constant 0 : index
    %get3A_3 = arith.constant 0 : index
    %get3A_4 = vector.load %arg1[%get3A_2, %get3A_3] : memref<512x1024xf32, #tpu.memory_space<vmem>>, vector<512x1024xf32>
    %mul3A = vector.broadcast %get3A_1 : vector<512x1xf32> to vector<512x1024xf32>
    %mul3A_5 = arith.mulf %mul3A, %get3A_4 : vector<512x1024xf32>
    %get3A_6 = arith.constant 0 : index
    %get3A_7 = arith.constant 0 : index
    %get3A_8 = vector.load %arg4[%get3A_6, %get3A_7] : memref<512x1xf32, #tpu.memory_space<vmem>>, vector<512x1xf32>
    %get3A_9 = arith.constant 0 : index
    %get3A_10 = arith.constant 0 : index
    %get3A_11 = vector.load %arg2[%get3A_9, %get3A_10] : memref<512x1024xf32, #tpu.memory_space<vmem>>, vector<512x1024xf32>
    %mul3A_12 = vector.broadcast %get3A_8 : vector<512x1xf32> to vector<512x1024xf32>
    %mul3A_13 = arith.mulf %mul3A_12, %get3A_11 : vector<512x1024xf32>
    %add3A = arith.addf %mul3A_5, %mul3A_13 : vector<512x1024xf32>
    %swap3A = arith.constant 0 : index
    %swap3A_14 = arith.constant 0 : index
    %swap3A_15 = vector.load %arg5[%swap3A, %swap3A_14] : memref<512x1024xf32, #tpu.memory_space<vmem>>, vector<512x1024xf32>
    tpu.vector_store %arg5[%swap3A, %swap3A_14], %add3A {strides = array<i32>} : memref<512x1024xf32, #tpu.memory_space<vmem>>, vector<512x1024xf32>,
    return
  }
  func.func @transform_0(%arg0: i32) -> (i32, i32) {
    %c0_i32 = arith.constant 0 : i32
    %c0_i32_0 = arith.constant 0 : i32
    return %arg0, %c0_i32 : i32, i32
  }
  func.func @transform_1(%arg0: i32) -> (i32, i32) {
    %c0_i32 = arith.constant 0 : i32
    %c0_i32_0 = arith.constant 0 : i32
    return %arg0, %c0_i32 : i32, i32
  }
  func.func @transform_2(%arg0: i32) -> (i32, i32) {
    %c0_i32 = arith.constant 0 : i32
    %c0_i32_0 = arith.constant 0 : i32
    return %arg0, %c0_i32 : i32, i32
  }
  func.func @transform_3(%arg0: i32) -> (i32, i32) {
    %c0_i32 = arith.constant 0 : i32
    %c0_i32_0 = arith.constant 0 : i32
    return %arg0, %c0_i32 : i32, i32
  }
  func.func @transform_4(%arg0: i32) -> (i32, i32) {
    %c0_i32 = arith.constant 0 : i32
    %c0_i32_0 = arith.constant 0 : i32
    return %arg0, %c0_i32 : i32, i32
  }
}

</mosaic_0001>

<sc_bundles>
// kernel: kernel.10.cloned.1.call-start
scs
__scs_entry_jumppad:
0x0: {  	(pc) =	sbr.rel $0x88, $3  }
0x1: {  	(tag) =	ssettag $0x0;
	lr =	simm.s32 $0x1  }
0x2: {  	[smem:$0x3F9C] =	sst lr;
	_ =	strace $0xD0000000  }
0x3: {  	_ = 	snop  }
0x4: {  	_ = 	snop  }
0x5: {  	_ = 	snop  }
0x6: {  	_ = 	snop  }
0x7: {  	_ = 	snop  }
__scs_overlays_trampoline_lowered:
0x8: {  	[smem:$0x3FAB] =	sst s0  }
0x9: {  	[smem:$0x3FAC] =	sst s1  }
0xa: {  	[smem:$0x3FAD] =	sst s2  }
0xb: {  	[smem:$0x3FAE] =	sst s3  }
0xc: {  	[smem:$0x3FAF] =	sst s4  }
0xd: {  	[smem:$0x3FB0] =	sst s5  }
0xe: {  	[smem:$0x3FB1] =	sst s6  }
0xf: {  	[smem:$0x3FB2] =	sst s7  }
0x10: {  	[smem:$0x3FB3] =	sst s8  }
0x11: {  	[smem:$0x3FB4] =	sst s9;
	s0 =	simm.s32 @!p0 $0x0  }
0x12: {  	s1 =	sld [smem:$0x3F9A];
	s0 =	simm.s32 @p0 $0x1  }
0x13: {  	[smem:$0x3FB5] =	sst s0;
	s0 =	simm.s32 @!p1 $0x0  }
0x14: {  	s2 =	sld [smem:$0x3F99];
	s0 =	simm.s32 @p1 $0x1  }
0x15: {  	[smem:$0x3FB6] =	sst s0;
	s0 =	simm.s32 @!p2 $0x0  }
0x16: {  	s3 =	sld [smem:$0x3FDB];
	s0 =	simm.s32 @p2 $0x1  }
0x17: {  	s4 =	simm.s32 $0x1BF5;
	[smem:$0x3FB8] =	sst s0  }
0x18: {  	s0 =	sld [smem:$0x3F9B];
	_ =	swait.ge [sflag:s4], $0x0  }
0x19: {  	s7 =	sld [smem:$0x3F9C]  }
0x1a: {  	s8 =	sadd.s32 $0xFFFFE003, lr  }
0x1b: {  	s9 =	sadd.s32 $0xFFFFFEF7, lr;
	s5 =	simm.s32 $0xFFFFFFFF;
	p2 =	slt.u32 s8, $0xFFFFF086  }
0x1c: {  	p1 =	slt.u32 s9, $0xF7A;
	s5 =	simm.s32 @!p2 $0x0  }
0x1d: {  	s5 =	simm.s32 @p1 $0x1;
	p0 =	seq.s32 s7, s2  }
0x1e: {  	s7 =	smul.u32 @!p0 $0xF7A, s2;
	p2 =	seq.s32 @!p0 s5, $0x0  }
0x1f: {  	s9 =	smul.u32 $0xF7A, s1;
	s8 =	simm.s32 @!p0 $0x1BF5;
	p2 =	por !p2, p0  }
0x20: {  	[sflag:s8] =	ssyncset.s32 @!p0 $0xFFFFF086;
	s6 =	sadd.s32 @!p0 s3, s7;
	s7 =	simm.s32 @!p0 $0x108  }
0x21: {  	s3 =	sadd.s32 s3, s9;
	s6 =	sadd.s32 @!p0 $0x88, s6;
	s7 =	simm.s32 @p2 $0x1082  }
0x22: {  	[simem:s7], [sflag:s8] =	dma.local @!p0 [hbm:s6], $0xF7A  }
0x23: {  	s9 =	sor.u32 $0xD0000000, s2;
	s6 =	simm.s32 $0x108;
	_ =	swait.ge @!p0 [sflag:s8], $0x0  }
0x24: {  	s3 =	sadd.s32 $0x88, s3;
	s6 =	simm.s32 @!p1 $0x1082;
	[sflag:s4] =	ssyncset.s32 $0xFFFFF086  }
0x25: {  	[simem:s6], [sflag:s4] =	dma.local [hbm:s3], $0xF7A  }
0x26: {  	[smem:$0x3F9C] =	sst s1;
	(tag) =	ssettag s2;
	_ =	strace s9  }
0x27: {  	s1 =	sld [smem:$0x3FAC]  }
0x28: {  	s2 =	sld [smem:$0x3FAD]  }
0x29: {  	s4 =	sld [smem:$0x3FAF]  }
0x2a: {  	p0 =	seq.s32 s5, $0x0;
	s5 =	sld [smem:$0x3FB0]  }
0x2b: {  	s6 =	sld [smem:$0x3FB1]  }
0x2c: {  	s7 =	sld [smem:$0x3FB2]  }
0x2d: {  	s3 =	simm.s32 $0x108;
	s8 =	sld [smem:$0x3FB3]  }
0x2e: {  	s3 =	simm.s32 @!p0 $0x1082;
	s9 =	sld [smem:$0x3FB4]  }
0x2f: {  	lr =	sadd.s32 s0, s3;
	s0 =	sld [smem:$0x3FAB]  }
0x30: {  	s3 =	sld [smem:$0x3FAE]  }
0x31: {  	[smem:$0x3FB7] =	sst s10  }
0x32: {  	s10 =	sld [smem:$0x3FB5];
	_ =	sdelay $0x3  }
0x33: {  	p0 =	seq.s32 s10, $0x1;
	s10 =	sld [smem:$0x3FB7];
	_ =	sdelay $0x3  }
0x34: {  	[smem:$0x3FB7] =	sst s10  }
0x35: {  	s10 =	sld [smem:$0x3FB6];
	_ =	sdelay $0x3  }
0x36: {  	p1 =	seq.s32 s10, $0x1;
	s10 =	sld [smem:$0x3FB7];
	_ =	sdelay $0x3  }
0x37: {  	[smem:$0x3FB7] =	sst s10  }
0x38: {  	s10 =	sld [smem:$0x3FB8]  }
0x39: {  	_ = 	snop;
	(pc) =	sbr.ind lr, $3  }
0x3a: {  	_ = 	snop  }
0x3b: {  	_ = 	snop  }
0x3c: {  	p2 =	seq.s32 s10, $0x1;
	s10 =	sld [smem:$0x3FB7]  }
0x3d: {  	_ =	shalt  }
0x3e: {  	_ =	shalt  }
0x3f: {  	_ =	shalt  }
0x40: {  	_ =	shalt  }
0x41: {  	_ =	shalt  }
0x42: {  	_ =	shalt  }
0x43: {  	_ =	shalt  }
0x44: {  	_ =	shalt  }
0x45: {  	_ =	shalt  }
0x46: {  	_ =	shalt  }
0x47: {  	_ =	shalt  }
0x48: {  	_ =	shalt  }
0x49: {  	_ =	shalt  }
0x4a: {  	_ =	shalt  }
0x4b: {  	_ =	shalt  }
0x4c: {  	_ =	shalt  }
0x4d: {  	_ =	shalt  }
0x4e: {  	_ =	shalt  }
0x4f: {  	_ =	shalt  }
0x50: {  	_ =	shalt  }
0x51: {  	_ =	shalt  }
0x52: {  	_ =	shalt  }
0x53: {  	_ =	shalt  }
0x54: {  	_ =	shalt  }
0x55: {  	_ =	shalt  }
0x56: {  	_ =	shalt  }
0x57: {  	_ =	shalt  }
0x58: {  	_ =	shalt  }
0x59: {  	_ =	shalt  }
0x5a: {  	_ =	shalt  }
0x5b: {  	_ =	shalt  }
0x5c: {  	_ =	shalt  }
0x5d: {  	_ =	shalt  }
0x5e: {  	_ =	shalt  }
0x5f: {  	_ =	shalt  }
0x60: {  	_ =	shalt  }
0x61: {  	_ =	shalt  }
0x62: {  	_ =	shalt  }
0x63: {  	_ =	shalt  }
0x64: {  	_ =	shalt  }
0x65: {  	_ =	shalt  }
0x66: {  	_ =	shalt  }
0x67: {  	_ =	shalt  }
0x68: {  	_ =	shalt  }
0x69: {  	_ =	shalt  }
0x6a: {  	_ =	shalt  }
0x6b: {  	_ =	shalt  }
0x6c: {  	_ =	shalt  }
0x6d: {  	_ =	shalt  }
0x6e: {  	_ =	shalt  }
0x6f: {  	_ =	shalt  }
0x70: {  	_ =	shalt  }
0x71: {  	_ =	shalt  }
0x72: {  	_ =	shalt  }
0x73: {  	_ =	shalt  }
0x74: {  	_ =	shalt  }
0x75: {  	_ =	shalt  }
0x76: {  	_ =	shalt  }
0x77: {  	_ =	shalt  }
0x78: {  	_ =	shalt  }
0x79: {  	_ =	shalt  }
0x7a: {  	_ =	shalt  }
0x7b: {  	_ =	shalt  }
0x7c: {  	_ =	shalt  }
0x7d: {  	_ =	shalt  }
0x7e: {  	_ =	shalt  }
0x7f: {  	_ =	shalt  }
0x80: {  	_ =	shalt  }
0x81: {  	_ =	shalt  }
0x82: {  	_ =	shalt  }
0x83: {  	_ =	shalt  }
0x84: {  	_ =	shalt  }
0x85: {  	_ =	shalt  }
0x86: {  	_ =	shalt  }
0x87: {  	_ =	shalt  }
.Lfunc_end0:
.L_simem_size_0:
called_computation.1_lowered:
.L_overlay_start_0:
0x88: {  	s2 =	sld [smem:$0x3FD9]  }
0x89: {  	s3 =	sld [smem:$0x3FFE];
	_ =	sdelay $0x1  }
0x8a: {  	s1 =	srdreg.scid  }
0x8b: {  	s0 =	sand.u32 $0x1, s1  }
0x8c: {  	s17 =	sshll.u32 s0, $0xA;
	s2 =	sadd.s32 s3, s2  }
0x8d: {  	s2 =	sadd.s32 s2, s17  }
0x8e: {  	[smem:$0x3FC3] =	sst s2  }
0x8f: {  	_ = 	snop  }
0x90: {  	s2 =	sld [smem:$0x3FD0];
	(tm) =	ssettm $0x1  }
0x91: {  	s18 =	sld [smem:$0x3FFB];
	_ =	sdelay $0x3  }
0x92: {  	_ =	strace s18  }
0x93: {  	s3 =	sld [smem:$0x3FFC];
	_ =	sdelay $0x3  }
0x94: {  	_ =	strace s3  }
0x95: {  	s3 =	sld [smem:$0x3FFD];
	_ =	sdelay $0x3  }
0x96: {  	_ =	strace s3  }
0x97: {  	_ =	strace $0x8FFFFFFF  }
0x98: {  	s19 =	sld [smem:$0x3FDB];
	_ =	sdelay $0x1  }
0x99: {  	s4 =	simm.s32 $_scs_section_size  }
0x9a: {  	s5 =	simm.s32 $_size__tile_overlayer_lowered;
	s6 =	simm.s32 $_tile_overlayer_lowered  }
0x9b: {  	s22 =	simm.s32 $0x1BFF;
	s21 =	sshll.u32 s6, $0x1;
	s3 =	sadd.s32 s4, s19  }
0x9c: {  	s7 =	simm.s32 $0x0;
	s20 =	sshll.u32 s5, $0x1;
	s5 =	sadd.s32 s21, s3  }
0x9d: {  	[timem:s7], [sflag:s22] =	dma.local [hbm:s5], s20  }
0x9e: {  	_ =	swait.ge [sflag:s22], s20  }
0x9f: {  	s4 =	ssub.s32 $0x0, s20;
	[sflag:s22] =	ssyncset.done $0x0  }
0xa0: {  	[sflag:s22] =	ssyncadd.s32 s4;
	_ =	sdelay $0x1  }
0xa1: {  	s23 =	simm.s32 $0x1B8B  }
0xa2: {  	_ =	swait.ge [sflag:s23], $0x1  }
0xa3: {  	[sflag:s23] =	ssyncset.done $0x0  }
0xa4: {  	s25 =	simm.s32 $0x1B8E;
	s24 =	sld [smem:$0x3FFE];
	[sflag:s23] =	ssyncadd.s32 $0xFFFFFFFF  }
0xa5: {  	s26 =	simm.s32 $execute0_lowered;
	[smem:$0x3FD2] =	sst s25  }
0xa6: {  	s5 =	sshll.u32 s26, $0x1;
	_ =	strace $0x80000049;
	[dreg:$0x1] =	wrdreg $0xFFFFFFFF  }
0xa7: {  	s28 =	simm.s32 $_size_execute0_lowered;
	s3 =	sadd.s32 s3, s5;
	[dreg:$0x0] =	wrdreg $0x0  }
0xa8: {  	s5 =	sshll.u32 s28, $0x1;
	[dreg:$0x2] =	wrdreg s3  }
0xa9: {  	[dreg:$0x3] =	wrdreg s5  }
0xaa: {  	[dreg:$0x4] =	wrdreg $0xC0  }
0xab: {  	_ =	task [dreg:s7], $0x5FFFF  }
0xac: {  	[dreg:$0x1] =	wrdreg $0xFFFFFFFF  }
0xad: {  	[dreg:$0x0] =	wrdreg $0x60  }
0xae: {  	[dreg:$0x2] =	wrdreg s24  }
0xaf: {  	[dreg:$0x3] =	wrdreg s2  }
0xb0: {  	[dreg:$0x4] =	wrdreg $0x9  }
0xb1: {  	_ =	task.clear_ibuf [dreg:s7], $0x5FFFF;
	_ =	strace $0x90000049  }
0xb2: {  	s29 =	simm.s32 $0x9;
	_ =	strace $0x8000004B  }
0xb3: {  	_ =	swait.ge [sflag:s29], $0x1  }
0xb4: {  	[sflag:s29] =	ssyncadd.s32 $0xFFFFFFFF  }
0xb5: {  	_ =	strace $0x9000004B  }
0xb6: {  	_ =	sfence  }
0xb7: {  	s30 =	sld [smem:$0x0];
	_ =	sdelay $0x2  }
0xb8: {  	s31 =	sshll.u32 s1, $0xD;
	s1 =	sshrl.u32 s1, $0x2  }
0xb9: {  	s3 =	sand.u32 $0x4000, s31;
	s1 =	sadd.s32 s1, s30  }
0xba: {  	s0 =	sor.u32 s3, s0;
	s1 =	sshll.u32 s1, $0x11  }
0xbb: {  	s0 =	sor.u32 s1, s0  }
0xbc: {  	s0 =	sadd.s32 $0x8F2B, s0  }
0xbd: {  	[sflag:s0] =	ssyncadd.remote.s32 $0x1  }
0xbe: {  	_ =	sfence.sel $0xFFFF  }
0xbf: {  	[dreg:$0x0] =	wrdreg $0xFFFFFFFF;
	(pc) =	sbr.abs _section_cstart, $3  }
0xc0: {  	[dreg:$0x1] =	wrdreg $0xFFFFFFFF  }
0xc1: {  	_ =	task.clear_ibuf [dreg:s7], $0x2FFFF;
	_ =	strace $0x9FFFFFFF  }
0xc2: {  	(tm) =	ssettm $0x7FFFFFFF  }
0xc3: {  	_ =	shalt  }
tec
execute0_lowered:
.L_overlay_start_1:
0x0: {  	(tag) =	ssettag $0x1  }
0x1: {  	s0 =	rddreg [dreg:$0x0];
	s2 =	simm.s32 $0x0;
	s1 =	srdreg.scid  }
0x2: {  	s6 =	stileid.u32;
	s13 =	simm.s32 $0x1;
	s14 =	simm.s32 $0x100  }
0x3: {  	s20 =	simm.s32 $0xF100;
	s21 =	simm.s32 $0xF900;
	[smem:$0x7FF] =	sst s2  }
0x4: {  	s4 =	sadd.s32 $0x20400, s0;
	s24 =	sadd.s32 $0xD4600, s0;
	s1 =	sand.u32 $0x1, s1  }
0x5: {  	s25 =	sadd.s32 $0xD4800, s0;
	s6 =	sshll.u32 s6, $0x8;
	s3 =	ssub.s32 $0x2, s1  }
0x6: {  	s26 =	sadd.s32 $0xD4A00, s0;
	s9 =	sadd.s32 $0x20500, s0;
	s5 =	sshrl.u32 s3, $0x1  }
0x7: {  	v2 =	vlaneseq.u32;
	s10 =	sadd.s32 $0x20600, s0;
	s11 =	sadd.s32 $0x20700, s0;
	s3 =	ssub.s32 s3, s5  }
0x8: {  	vm0 =	vmmov $0xffff;
	v1 =	vshrl.u32 v2, $0x3;
	s0 =	simm.s32 $0x0;
	s1 =	sshll.u32 s1, $0x7;
	s31 =	smax.u32 s3, $0x1  }
0x9: {  	v0 =	vand.u32 $0x7, v2;
	v2 =	vor.u32 $0x8, v2;
	_ =	strace $0x8000004A;
	v1 =	vmul.u32 $0x8, v1;
	s28 =	sor.u32 s1, s6;
	[dreg:$0x3] =	wrdreg s31  }
.LBB2_1:
0xa: {  	[dreg:$0x4] =	wrdreg s0;
	p0 =	por $0x1, $0x1;
	s22 =	simm.s32 $0x0  }
.LBB2_2:
0xb: {  	s23 =	sor.u32 s28, s22  }
0xc: {  	s29 =	smov.u32 s28;
	s28 =	smov.u32 s26;
	s22 =	sshrl.u32 s23, $0x3  }
0xd: {  	s26 =	smov.u32 s25;
	s25 =	smov.u32 s24;
	s24 =	sadd.s32 s24, s22  }
0xe: {  	[tilespmem:s2], [sflag:$0x1] =	stream.linear.gather [hbm4b:s24+s2], $0x40, $0x38;
	[tilespmem:$0x10100] =	vst v63  }
0xf: {  	_ =	swait.ge [sflag:s13], $0x40  }
0x10: {  	[sflag:s13] =	ssyncset.done $0x0  }
0x11: {  	[sflag:s13] =	ssyncadd.s32 $0xFFFFFFC0  }
0x12: {  	v3 =	vld [tilespmem:$0x0];
	_ =	sdelay $0x4  }
0x13: {  	v4 =	vshll.u32 v3, $0x3  }
0x14: {  	v3 =	vand.u32 $0x7, v3;
	v4 =	vand.u32 $0xFFFFFFC0, v4  }
0x15: {  	v3 =	vor.u32 v3, v4  }
0x16: {  	v4 =	vperm.xlane v3, v0;
	_ =	sdelay $0x1  }
0x17: {  	v4 =	vadd.s32 v1, v4;
	_ =	sdelay $0x4  }
0x18: {  	[tilespmem:s14], [sflag:$0x1] =	stream.indirect_vreg.gather [hbm4b:s4+s2], $0x80, v4, vm0, $0xb8;
	[tilespmem:$0x10100] =	vst v63  }
0x19: {  	s30 =	simm.s32 $0x900;
	v3 =	vperm.xlane v3, v2  }
0x1a: {  	[tilespmem:s30], [sflag:$0x1] =	stream.indirect_vreg.gather [hbm4b:s9+s2], $0x80, v4, vm0, $0xb8;
	[tilespmem:$0x10100] =	vst v63  }
0x1b: {  	v3 =	vadd.s32 v1, v3;
	s30 =	simm.s32 $0x1100  }
0x1c: {  	[tilespmem:s30], [sflag:$0x1] =	stream.indirect_vreg.gather [hbm4b:s10+s2], $0x80, v4, vm0, $0xb8;
	[tilespmem:$0x10100] =	vst v63  }
0x1d: {  	s31 =	simm.s32 $0x1900  }
0x1e: {  	[tilespmem:s31], [sflag:$0x1] =	stream.indirect_vreg.gather [hbm4b:s11+s2], $0x80, v4, vm0, $0xb8;
	[tilespmem:$0x10100] =	vst v63  }
0x1f: {  	s31 =	simm.s32 $0x2100  }
0x20: {  	[tilespmem:s31], [sflag:$0x1] =	stream.indirect_vreg.gather [hbm4b:s4+s2], $0x80, v3, vm0, $0xb8;
	[tilespmem:$0x10100] =	vst v63  }
0x21: {  	s0 =	simm.s32 $0x2900  }
0x22: {  	[tilespmem:s0], [sflag:$0x1] =	stream.indirect_vreg.gather [hbm4b:s9+s2], $0x80, v3, vm0, $0xb8;
	[tilespmem:$0x10100] =	vst v63  }
0x23: {  	s3 =	simm.s32 $0x3100  }
0x24: {  	[tilespmem:s3], [sflag:$0x1] =	stream.indirect_vreg.gather [hbm4b:s10+s2], $0x80, v3, vm0, $0xb8;
	[tilespmem:$0x10100] =	vst v63  }
0x25: {  	s3 =	simm.s32 $0x3900  }
0x26: {  	[tilespmem:s3], [sflag:$0x1] =	stream.indirect_vreg.gather [hbm4b:s11+s2], $0x80, v3, vm0, $0xb8;
	[tilespmem:$0x10100] =	vst v63  }
0x27: {  	v3 =	vld [tilespmem:$0x10];
	_ =	sdelay $0x4  }
0x28: {  	v57 =	vshll.u32 v3, $0x3  }
0x29: {  	v3 =	vand.u32 $0x7, v3;
	v4 =	vand.u32 $0xFFFFFFC0, v57  }
0x2a: {  	v3 =	vor.u32 v3, v4  }
0x2b: {  	v4 =	vperm.xlane v3, v0;
	_ =	sdelay $0x1  }
0x2c: {  	v4 =	vadd.s32 v1, v4;
	_ =	sdelay $0x3  }
0x2d: {  	s12 =	simm.s32 $0x4100  }
0x2e: {  	[tilespmem:s12], [sflag:$0x1] =	stream.indirect_vreg.gather [hbm4b:s4+s2], $0x80, v4, vm0, $0xb8;
	[tilespmem:$0x10100] =	vst v63  }
0x2f: {  	v3 =	vperm.xlane v3, v2;
	s12 =	simm.s32 $0x4900  }
0x30: {  	[tilespmem:s12], [sflag:$0x1] =	stream.indirect_vreg.gather [hbm4b:s9+s2], $0x80, v4, vm0, $0xb8;
	[tilespmem:$0x10100] =	vst v63  }
0x31: {  	s1 =	simm.s32 $0x5100;
	v3 =	vadd.s32 v1, v3  }
0x32: {  	[tilespmem:s1], [sflag:$0x1] =	stream.indirect_vreg.gather [hbm4b:s10+s2], $0x80, v4, vm0, $0xb8;
	[tilespmem:$0x10100] =	vst v63  }
0x33: {  	s1 =	simm.s32 $0x5900  }
0x34: {  	[tilespmem:s1], [sflag:$0x1] =	stream.indirect_vreg.gather [hbm4b:s11+s2], $0x80, v4, vm0, $0xb8;
	[tilespmem:$0x10100] =	vst v63  }
0x35: {  	s5 =	simm.s32 $0x6100  }
0x36: {  	[tilespmem:s5], [sflag:$0x1] =	stream.indirect_vreg.gather [hbm4b:s4+s2], $0x80, v3, vm0, $0xb8;
	[tilespmem:$0x10100] =	vst v63  }
0x37: {  	s5 =	simm.s32 $0x6900  }
0x38: {  	[tilespmem:s5], [sflag:$0x1] =	stream.indirect_vreg.gather [hbm4b:s9+s2], $0x80, v3, vm0, $0xb8;
	[tilespmem:$0x10100] =	vst v63  }
0x39: {  	s6 =	simm.s32 $0x7100  }
0x3a: {  	[tilespmem:s6], [sflag:$0x1] =	stream.indirect_vreg.gather [hbm4b:s10+s2], $0x80, v3, vm0, $0xb8;
	[tilespmem:$0x10100] =	vst v63  }
0x3b: {  	s6 =	simm.s32 $0x7900  }
0x3c: {  	[tilespmem:s6], [sflag:$0x1] =	stream.indirect_vreg.gather [hbm4b:s11+s2], $0x80, v3, vm0, $0xb8;
	[tilespmem:$0x10100] =	vst v63  }
0x3d: {  	v3 =	vld [tilespmem:$0x20];
	_ =	sdelay $0x4  }
0x3e: {  	v58 =	vshll.u32 v3, $0x3  }
0x3f: {  	v3 =	vand.u32 $0x7, v3;
	v4 =	vand.u32 $0xFFFFFFC0, v58  }
0x40: {  	v3 =	vor.u32 v3, v4  }
0x41: {  	v4 =	vperm.xlane v3, v0;
	_ =	sdelay $0x1  }
0x42: {  	v4 =	vadd.s32 v1, v4;
	_ =	sdelay $0x3  }
0x43: {  	s7 =	simm.s32 $0x8100  }
0x44: {  	[tilespmem:s7], [sflag:$0x1] =	stream.indirect_vreg.gather [hbm4b:s4+s2], $0x80, v4, vm0, $0xb8;
	[tilespmem:$0x10100] =	vst v63  }
0x45: {  	v3 =	vperm.xlane v3, v2;
	s7 =	simm.s32 $0x8900  }
0x46: {  	[tilespmem:s7], [sflag:$0x1] =	stream.indirect_vreg.gather [hbm4b:s9+s2], $0x80, v4, vm0, $0xb8;
	[tilespmem:$0x10100] =	vst v63  }
0x47: {  	s8 =	simm.s32 $0x9100;
	v3 =	vadd.s32 v1, v3  }
0x48: {  	[tilespmem:s8], [sflag:$0x1] =	stream.indirect_vreg.gather [hbm4b:s10+s2], $0x80, v4, vm0, $0xb8;
	[tilespmem:$0x10100] =	vst v63  }
0x49: {  	s8 =	simm.s32 $0x9900  }
0x4a: {  	[tilespmem:s8], [sflag:$0x1] =	stream.indirect_vreg.gather [hbm4b:s11+s2], $0x80, v4, vm0, $0xb8;
	[tilespmem:$0x10100] =	vst v63  }
0x4b: {  	s15 =	simm.s32 $0xA100  }
0x4c: {  	[tilespmem:s15], [sflag:$0x1] =	stream.indirect_vreg.gather [hbm4b:s4+s2], $0x80, v3, vm0, $0xb8;
	[tilespmem:$0x10100] =	vst v63  }
0x4d: {  	s15 =	simm.s32 $0xA900  }
0x4e: {  	[tilespmem:s15], [sflag:$0x1] =	stream.indirect_vreg.gather [hbm4b:s9+s2], $0x80, v3, vm0, $0xb8;
	[tilespmem:$0x10100] =	vst v63  }
0x4f: {  	s16 =	simm.s32 $0xB100  }
0x50: {  	[tilespmem:s16], [sflag:$0x1] =	stream.indirect_vreg.gather [hbm4b:s10+s2], $0x80, v3, vm0, $0xb8;
	[tilespmem:$0x10100] =	vst v63  }
0x51: {  	s16 =	simm.s32 $0xB900  }
0x52: {  	[tilespmem:s16], [sflag:$0x1] =	stream.indirect_vreg.gather [hbm4b:s11+s2], $0x80, v3, vm0, $0xb8;
	[tilespmem:$0x10100] =	vst v63  }
0x53: {  	v3 =	vld [tilespmem:$0x30];
	_ =	sdelay $0x4  }
0x54: {  	v59 =	vshll.u32 v3, $0x3  }
0x55: {  	v3 =	vand.u32 $0x7, v3;
	v4 =	vand.u32 $0xFFFFFFC0, v59  }
0x56: {  	v3 =	vor.u32 v3, v4  }
0x57: {  	v4 =	vperm.xlane v3, v0;
	_ =	sdelay $0x1  }
0x58: {  	v4 =	vadd.s32 v1, v4;
	_ =	sdelay $0x3  }
0x59: {  	s17 =	simm.s32 $0xC100  }
0x5a: {  	[tilespmem:s17], [sflag:$0x1] =	stream.indirect_vreg.gather [hbm4b:s4+s2], $0x80, v4, vm0, $0xb8;
	[tilespmem:$0x10100] =	vst v63  }
0x5b: {  	v3 =	vperm.xlane v3, v2;
	s17 =	simm.s32 $0xC900  }
0x5c: {  	[tilespmem:s17], [sflag:$0x1] =	stream.indirect_vreg.gather [hbm4b:s9+s2], $0x80, v4, vm0, $0xb8;
	[tilespmem:$0x10100] =	vst v63  }
0x5d: {  	s18 =	simm.s32 $0xD100;
	v3 =	vadd.s32 v1, v3  }
0x5e: {  	[tilespmem:s18], [sflag:$0x1] =	stream.indirect_vreg.gather [hbm4b:s10+s2], $0x80, v4, vm0, $0xb8;
	[tilespmem:$0x10100] =	vst v63  }
0x5f: {  	s18 =	simm.s32 $0xD900  }
0x60: {  	[tilespmem:s18], [sflag:$0x1] =	stream.indirect_vreg.gather [hbm4b:s11+s2], $0x80, v4, vm0, $0xb8;
	[tilespmem:$0x10100] =	vst v63  }
0x61: {  	s19 =	simm.s32 $0xE100  }
0x62: {  	[tilespmem:s19], [sflag:$0x1] =	stream.indirect_vreg.gather [hbm4b:s4+s2], $0x80, v3, vm0, $0xb8;
	[tilespmem:$0x10100] =	vst v63  }
0x63: {  	s19 =	simm.s32 $0xE900  }
0x64: {  	[tilespmem:s19], [sflag:$0x1] =	stream.indirect_vreg.gather [hbm4b:s9+s2], $0x80, v3, vm0, $0xb8;
	[tilespmem:$0x10100] =	vst v63  }
0x65: {  	_ = 	snop  }
0x66: {  	[tilespmem:s20], [sflag:$0x1] =	stream.indirect_vreg.gather [hbm4b:s10+s2], $0x80, v3, vm0, $0xb8;
	[tilespmem:$0x10100] =	vst v63  }
0x67: {  	_ = 	snop  }
0x68: {  	[tilespmem:s21], [sflag:$0x1] =	stream.indirect_vreg.gather [hbm4b:s11+s2], $0x80, v3, vm0, $0xb8;
	[tilespmem:$0x10100] =	vst v63  }
0x69: {  	_ =	swait.ge [sflag:s13], $0x10000  }
0x6a: {  	[sflag:s13] =	ssyncset.done $0x0  }
0x6b: {  	[sflag:s13] =	ssyncadd.s32 $0xFFFF0000  }
0x6c: {  	s23 =	sshll.u32 s23, $0x7;
	s24 =	rddreg [dreg:$0x1]  }
0x6d: {  	s0 =	sadd.s32 s24, s23  }
0x6e: {  	[hbm4b:s0+s2] =	stream.linear.scatter [tilespmem:s14], [sflag:$0x1], $0x10000, $0x38;
	[tilespmem:$0x10100] =	vst v63  }
0x6f: {  	_ =	swait.ge [sflag:s13], $0x10000  }
0x70: {  	s24 =	smov.u32 s25;
	s25 =	smov.u32 s26;
	[sflag:s13] =	ssyncset.done $0x0  }
0x71: {  	s22 =	sadd.s32 s25, s22;
	s0 =	simm.s32 $0x80;
	[sflag:s13] =	ssyncadd.s32 $0xFFFF0000  }
0x72: {  	[tilespmem:s0], [sflag:$0x1] =	stream.linear.gather [hbm4b:s22+s2], $0x40, $0x38;
	[tilespmem:$0x10100] =	vst v63  }
0x73: {  	_ =	swait.ge [sflag:s13], $0x40  }
0x74: {  	[sflag:s13] =	ssyncset.done $0x0  }
0x75: {  	[sflag:s13] =	ssyncadd.s32 $0xFFFFFFC0  }
0x76: {  	v3 =	vld [tilespmem:$0x80];
	_ =	sdelay $0x4  }
0x77: {  	v60 =	vshll.u32 v3, $0x3  }
0x78: {  	v3 =	vand.u32 $0x7, v3;
	v4 =	vand.u32 $0xFFFFFFC0, v60  }
0x79: {  	v3 =	vor.u32 v3, v4  }
0x7a: {  	v4 =	vperm.xlane v3, v0;
	_ =	sdelay $0x1  }
0x7b: {  	v4 =	vadd.s32 v1, v4;
	_ =	sdelay $0x4  }
0x7c: {  	[tilespmem:s14], [sflag:$0x1] =	stream.indirect_vreg.gather [hbm4b:s4+s2], $0x80, v4, vm0, $0xb8;
	[tilespmem:$0x10100] =	vst v63  }
0x7d: {  	s26 =	smov.u32 s28;
	s28 =	smov.u32 s29;
	s29 =	simm.s32 $0x900;
	v3 =	vperm.xlane v3, v2  }
0x7e: {  	[tilespmem:s29], [sflag:$0x1] =	stream.indirect_vreg.gather [hbm4b:s9+s2], $0x80, v4, vm0, $0xb8;
	[tilespmem:$0x10100] =	vst v63  }
0x7f: {  	v3 =	vadd.s32 v1, v3  }
0x80: {  	[tilespmem:s30], [sflag:$0x1] =	stream.indirect_vreg.gather [hbm4b:s10+s2], $0x80, v4, vm0, $0xb8;
	[tilespmem:$0x10100] =	vst v63  }
0x81: {  	s29 =	simm.s32 $0x1900  }
0x82: {  	[tilespmem:s29], [sflag:$0x1] =	stream.indirect_vreg.gather [hbm4b:s11+s2], $0x80, v4, vm0, $0xb8;
	[tilespmem:$0x10100] =	vst v63  }
0x83: {  	_ = 	snop  }
0x84: {  	[tilespmem:s31], [sflag:$0x1] =	stream.indirect_vreg.gather [hbm4b:s4+s2], $0x80, v3, vm0, $0xb8;
	[tilespmem:$0x10100] =	vst v63  }
0x85: {  	s0 =	simm.s32 $0x2900  }
0x86: {  	[tilespmem:s0], [sflag:$0x1] =	stream.indirect_vreg.gather [hbm4b:s9+s2], $0x80, v3, vm0, $0xb8;
	[tilespmem:$0x10100] =	vst v63  }
0x87: {  	s22 =	simm.s32 $0x3100  }
0x88: {  	[tilespmem:s22], [sflag:$0x1] =	stream.indirect_vreg.gather [hbm4b:s10+s2], $0x80, v3, vm0, $0xb8;
	[tilespmem:$0x10100] =	vst v63  }
0x89: {  	_ = 	snop  }
0x8a: {  	[tilespmem:s3], [sflag:$0x1] =	stream.indirect_vreg.gather [hbm4b:s11+s2], $0x80, v3, vm0, $0xb8;
	[tilespmem:$0x10100] =	vst v63  }
0x8b: {  	v3 =	vld [tilespmem:$0x90];
	_ =	sdelay $0x4  }
0x8c: {  	v61 =	vshll.u32 v3, $0x3  }
0x8d: {  	v3 =	vand.u32 $0x7, v3;
	v4 =	vand.u32 $0xFFFFFFC0, v61  }
0x8e: {  	v3 =	vor.u32 v3, v4  }
0x8f: {  	v4 =	vperm.xlane v3, v0;
	_ =	sdelay $0x1  }
0x90: {  	v4 =	vadd.s32 v1, v4;
	_ =	sdelay $0x3  }
0x91: {  	s29 =	simm.s32 $0x4100  }
0x92: {  	[tilespmem:s29], [sflag:$0x1] =	stream.indirect_vreg.gather [hbm4b:s4+s2], $0x80, v4, vm0, $0xb8;
	[tilespmem:$0x10100] =	vst v63  }
0x93: {  	v3 =	vperm.xlane v3, v2  }
0x94: {  	[tilespmem:s12], [sflag:$0x1] =	stream.indirect_vreg.gather [hbm4b:s9+s2], $0x80, v4, vm0, $0xb8;
	[tilespmem:$0x10100] =	vst v63  }
0x95: {  	s30 =	simm.s32 $0x5100;
	v3 =	vadd.s32 v1, v3  }
0x96: {  	[tilespmem:s30], [sflag:$0x1] =	stream.indirect_vreg.gather [hbm4b:s10+s2], $0x80, v4, vm0, $0xb8;
	[tilespmem:$0x10100] =	vst v63  }
0x97: {  	_ = 	snop  }
0x98: {  	[tilespmem:s1], [sflag:$0x1] =	stream.indirect_vreg.gather [hbm4b:s11+s2], $0x80, v4, vm0, $0xb8;
	[tilespmem:$0x10100] =	vst v63  }
0x99: {  	s31 =	simm.s32 $0x6100  }
0x9a: {  	[tilespmem:s31], [sflag:$0x1] =	stream.indirect_vreg.gather [hbm4b:s4+s2], $0x80, v3, vm0, $0xb8;
	[tilespmem:$0x10100] =	vst v63  }
0x9b: {  	_ = 	snop  }
0x9c: {  	[tilespmem:s5], [sflag:$0x1] =	stream.indirect_vreg.gather [hbm4b:s9+s2], $0x80, v3, vm0, $0xb8;
	[tilespmem:$0x10100] =	vst v63  }
0x9d: {  	s3 =	simm.s32 $0x7100  }
0x9e: {  	[tilespmem:s3], [sflag:$0x1] =	stream.indirect_vreg.gather [hbm4b:s10+s2], $0x80, v3, vm0, $0xb8;
	[tilespmem:$0x10100] =	vst v63  }
0x9f: {  	_ = 	snop  }
0xa0: {  	[tilespmem:s6], [sflag:$0x1] =	stream.indirect_vreg.gather [hbm4b:s11+s2], $0x80, v3, vm0, $0xb8;
	[tilespmem:$0x10100] =	vst v63  }
0xa1: {  	v3 =	vld [tilespmem:$0xA0];
	_ =	sdelay $0x4  }
0xa2: {  	v62 =	vshll.u32 v3, $0x3  }
0xa3: {  	v3 =	vand.u32 $0x7, v3;
	v4 =	vand.u32 $0xFFFFFFC0, v62  }
0xa4: {  	v3 =	vor.u32 v3, v4  }
0xa5: {  	v4 =	vperm.xlane v3, v0;
	_ =	sdelay $0x1  }
0xa6: {  	v4 =	vadd.s32 v1, v4;
	_ =	sdelay $0x3  }
0xa7: {  	s5 =	simm.s32 $0x8100  }
0xa8: {  	[tilespmem:s5], [sflag:$0x1] =	stream.indirect_vreg.gather [hbm4b:s4+s2], $0x80, v4, vm0, $0xb8;
	[tilespmem:$0x10100] =	vst v63  }
0xa9: {  	v3 =	vperm.xlane v3, v2  }
0xaa: {  	[tilespmem:s7], [sflag:$0x1] =	stream.indirect_vreg.gather [hbm4b:s9+s2], $0x80, v4, vm0, $0xb8;
	[tilespmem:$0x10100] =	vst v63  }
0xab: {  	s6 =	simm.s32 $0x9100;
	v3 =	vadd.s32 v1, v3  }
0xac: {  	[tilespmem:s6], [sflag:$0x1] =	stream.indirect_vreg.gather [hbm4b:s10+s2], $0x80, v4, vm0, $0xb8;
	[tilespmem:$0x10100] =	vst v63  }
0xad: {  	_ = 	snop  }
0xae: {  	[tilespmem:s8], [sflag:$0x1] =	stream.indirect_vreg.gather [hbm4b:s11+s2], $0x80, v4, vm0, $0xb8;
	[tilespmem:$0x10100] =	vst v63  }
0xaf: {  	s7 =	simm.s32 $0xA100  }
0xb0: {  	[tilespmem:s7], [sflag:$0x1] =	stream.indirect_vreg.gather [hbm4b:s4+s2], $0x80, v3, vm0, $0xb8;
	[tilespmem:$0x10100] =	vst v63  }
0xb1: {  	_ = 	snop  }
0xb2: {  	[tilespmem:s15], [sflag:$0x1] =	stream.indirect_vreg.gather [hbm4b:s9+s2], $0x80, v3, vm0, $0xb8;
	[tilespmem:$0x10100] =	vst v63  }
0xb3: {  	s12 =	simm.s32 $0xB100  }
0xb4: {  	[tilespmem:s12], [sflag:$0x1] =	stream.indirect_vreg.gather [hbm4b:s10+s2], $0x80, v3, vm0, $0xb8;
	[tilespmem:$0x10100] =	vst v63  }
0xb5: {  	_ = 	snop  }
0xb6: {  	[tilespmem:s16], [sflag:$0x1] =	stream.indirect_vreg.gather [hbm4b:s11+s2], $0x80, v3, vm0, $0xb8;
	[tilespmem:$0x10100] =	vst v63  }
0xb7: {  	v3 =	vld [tilespmem:$0xB0];
	_ =	sdelay $0x4  }
0xb8: {  	v63 =	vshll.u32 v3, $0x3  }
0xb9: {  	v3 =	vand.u32 $0x7, v3;
	v4 =	vand.u32 $0xFFFFFFC0, v63  }
0xba: {  	v3 =	vor.u32 v3, v4  }
0xbb: {  	v4 =	vperm.xlane v3, v0;
	_ =	sdelay $0x1  }
0xbc: {  	v4 =	vadd.s32 v1, v4;
	_ =	sdelay $0x3  }
0xbd: {  	s22 =	simm.s32 $0xC100  }
0xbe: {  	[tilespmem:s22], [sflag:$0x1] =	stream.indirect_vreg.gather [hbm4b:s4+s2], $0x80, v4, vm0, $0xb8;
	[tilespmem:$0x10100] =	vst v63  }
0xbf: {  	v3 =	vperm.xlane v3, v2  }
0xc0: {  	[tilespmem:s17], [sflag:$0x1] =	stream.indirect_vreg.gather [hbm4b:s9+s2], $0x80, v4, vm0, $0xb8;
	[tilespmem:$0x10100] =	vst v63  }
0xc1: {  	s29 =	simm.s32 $0xD100;
	v3 =	vadd.s32 v1, v3  }
0xc2: {  	[tilespmem:s29], [sflag:$0x1] =	stream.indirect_vreg.gather [hbm4b:s10+s2], $0x80, v4, vm0, $0xb8;
	[tilespmem:$0x10100] =	vst v63  }
0xc3: {  	_ = 	snop  }
0xc4: {  	[tilespmem:s18], [sflag:$0x1] =	stream.indirect_vreg.gather [hbm4b:s11+s2], $0x80, v4, vm0, $0xb8;
	[tilespmem:$0x10100] =	vst v63  }
0xc5: {  	s30 =	simm.s32 $0xE100  }
0xc6: {  	[tilespmem:s30], [sflag:$0x1] =	stream.indirect_vreg.gather [hbm4b:s4+s2], $0x80, v3, vm0, $0xb8;
	[tilespmem:$0x10100] =	vst v63  }
0xc7: {  	_ = 	snop  }
0xc8: {  	[tilespmem:s19], [sflag:$0x1] =	stream.indirect_vreg.gather [hbm4b:s9+s2], $0x80, v3, vm0, $0xb8;
	[tilespmem:$0x10100] =	vst v63  }
0xc9: {  	_ = 	snop  }
0xca: {  	[tilespmem:s20], [sflag:$0x1] =	stream.indirect_vreg.gather [hbm4b:s10+s2], $0x80, v3, vm0, $0xb8;
	[tilespmem:$0x10100] =	vst v63  }
0xcb: {  	_ = 	snop  }
0xcc: {  	[tilespmem:s21], [sflag:$0x1] =	stream.indirect_vreg.gather [hbm4b:s11+s2], $0x80, v3, vm0, $0xb8;
	[tilespmem:$0x10100] =	vst v63  }
0xcd: {  	_ =	swait.ge [sflag:s13], $0x10000  }
0xce: {  	p1 =	por p0, p0;
	[sflag:s13] =	ssyncset.done $0x0  }
.Ltmp0:
0xcf: {  	s31 =	sadd.s32 s26, s23;
	[sflag:s13] =	ssyncadd.s32 $0xFFFF0000;
	(pc) =	sbr.rel @p1 .LBB2_2-.Ltmp0, $4  }
0xd0: {  	[hbm4b:s31+s2] =	stream.linear.scatter [tilespmem:s14], [sflag:$0x1], $0x10000, $0x38;
	[tilespmem:$0x10100] =	vst v63  }
0xd1: {  	_ =	swait.ge [sflag:s13], $0x10000  }
0xd2: {  	[sflag:s13] =	ssyncset.done $0x0  }
0xd3: {  	p0 =	por $0x0, $0x0;
	s22 =	simm.s32 $0x40;
	[sflag:s13] =	ssyncadd.s32 $0xFFFF0000  }
0xd4: {  	s0 =	rddreg [dreg:$0x4]  }
0xd5: {  	s22 =	rddreg [dreg:$0x3];
	s0 =	sadd.s32 $0x1, s0  }
0xd6: {  	p0 =	sne.s32 s0, s22  }
.Ltmp1:
0xd7: {  	_ = 	snop;
	(pc) =	sbr.rel @p0 .LBB2_1-.Ltmp1, $1  }
0xd8: {  	_ =	sdelay $0x3  }
0xd9: {  	_ =	sfence.sel $0x180000  }
0xda: {  	[bflag:$0x0] =	sbarrier.arrive $0xFFFF  }
0xdb: {  	_ =	strace $0x9000004A  }
0xdc: {  	s0 =	stileid.u32;
	[bflag:$0x2] =	sbarrier.arrive $0xFFFF  }
0xdd: {  	p0 =	sne.s32 s0, $0x0;
	s0 =	rddreg [dreg:$0x2]  }
0xde: {  	s0 =	sadd.s32 @!p0 $0x100000, s0  }
0xdf: {  	[sflag:s0] =	ssyncadd.tile.s32 @!p0 $0x1;
	_ =	shalt  }
.Lfunc_end2:
_tile_overlayer_lowered:
.L_overlay_start_2:
0xe0: {  	(tag) =	ssettag $0x2  }
0xe1: {  	s0 =	rddreg [dreg:$0x0];
	s2 =	stileid.u32  }
0xe2: {  	s1 =	rddreg [dreg:$0x1];
	p0 =	sne.s32 s2, $0x0  }
0xe3: {  	s3 =	rddreg [dreg:$0x2];
	[bflag:$0x3] =	sbarrier.arrive $0xFFFF;
	s2 =	simm.s32 @!p0 $0x1C01  }
0xe4: {  	[timem:s3], [sflag:s2] =	dma.local @!p0 [hbm:s0], s1  }
0xe5: {  	s0 =	simm.s32 @!p0 $0x1  }
0xe6: {  	_ =	swait.ge @!p0 [sflag:s0], s1  }
0xe7: {  	s1 =	ssub.s32 @!p0 $0x0, s1;
	[sflag:s0] =	ssyncset.done @!p0 $0x0  }
0xe8: {  	[sflag:s0] =	ssyncadd.s32 @!p0 s1  }
0xe9: {  	[bflag:$0x3] =	sbarrier.arrive $0xFFFF  }
0xea: {  	_ =	shalt  }

// kernel: kernel.7.cloned.1.call-start
scs
__scs_entry_jumppad:
0x0: {  	(pc) =	sbr.rel $0x88, $3  }
0x1: {  	(tag) =	ssettag $0x0;
	lr =	simm.s32 $0x1  }
0x2: {  	[smem:$0x3F9C] =	sst lr;
	_ =	strace $0xD0000000  }
0x3: {  	_ = 	snop  }
0x4: {  	_ = 	snop  }
0x5: {  	_ = 	snop  }
0x6: {  	_ = 	snop  }
0x7: {  	_ = 	snop  }
__scs_overlays_trampoline_lowered:
0x8: {  	[smem:$0x3FAB] =	sst s0  }
0x9: {  	[smem:$0x3FAC] =	sst s1  }
0xa: {  	[smem:$0x3FAD] =	sst s2  }
0xb: {  	[smem:$0x3FAE] =	sst s3  }
0xc: {  	[smem:$0x3FAF] =	sst s4  }
0xd: {  	[smem:$0x3FB0] =	sst s5  }
0xe: {  	[smem:$0x3FB1] =	sst s6  }
0xf: {  	[smem:$0x3FB2] =	sst s7  }
0x10: {  	[smem:$0x3FB3] =	sst s8  }
0x11: {  	[smem:$0x3FB4] =	sst s9;
	s0 =	simm.s32 @!p0 $0x0  }
0x12: {  	s1 =	sld [smem:$0x3F9A];
	s0 =	simm.s32 @p0 $0x1  }
0x13: {  	[smem:$0x3FB5] =	sst s0;
	s0 =	simm.s32 @!p1 $0x0  }
0x14: {  	s2 =	sld [smem:$0x3F99];
	s0 =	simm.s32 @p1 $0x1  }
0x15: {  	[smem:$0x3FB6] =	sst s0;
	s0 =	simm.s32 @!p2 $0x0  }
0x16: {  	s3 =	sld [smem:$0x3FDB];
	s0 =	simm.s32 @p2 $0x1  }
0x17: {  	s4 =	simm.s32 $0x1BF5;
	[smem:$0x3FB8] =	sst s0  }
0x18: {  	s0 =	sld [smem:$0x3F9B];
	_ =	swait.ge [sflag:s4], $0x0  }
0x19: {  	s7 =	sld [smem:$0x3F9C]  }
0x1a: {  	s8 =	sadd.s32 $0xFFFFE003, lr  }
0x1b: {  	s9 =	sadd.s32 $0xFFFFFEF7, lr;
	s5 =	simm.s32 $0xFFFFFFFF;
	p2 =	slt.u32 s8, $0xFFFFF086  }
0x1c: {  	p1 =	slt.u32 s9, $0xF7A;
	s5 =	simm.s32 @!p2 $0x0  }
0x1d: {  	s5 =	simm.s32 @p1 $0x1;
	p0 =	seq.s32 s7, s2  }
0x1e: {  	s7 =	smul.u32 @!p0 $0xF7A, s2;
	p2 =	seq.s32 @!p0 s5, $0x0  }
0x1f: {  	s9 =	smul.u32 $0xF7A, s1;
	s8 =	simm.s32 @!p0 $0x1BF5;
	p2 =	por !p2, p0  }
0x20: {  	[sflag:s8] =	ssyncset.s32 @!p0 $0xFFFFF086;
	s6 =	sadd.s32 @!p0 s3, s7;
	s7 =	simm.s32 @!p0 $0x108  }
0x21: {  	s3 =	sadd.s32 s3, s9;
	s6 =	sadd.s32 @!p0 $0x88, s6;
	s7 =	simm.s32 @p2 $0x1082  }
0x22: {  	[simem:s7], [sflag:s8] =	dma.local @!p0 [hbm:s6], $0xF7A  }
0x23: {  	s9 =	sor.u32 $0xD0000000, s2;
	s6 =	simm.s32 $0x108;
	_ =	swait.ge @!p0 [sflag:s8], $0x0  }
0x24: {  	s3 =	sadd.s32 $0x88, s3;
	s6 =	simm.s32 @!p1 $0x1082;
	[sflag:s4] =	ssyncset.s32 $0xFFFFF086  }
0x25: {  	[simem:s6], [sflag:s4] =	dma.local [hbm:s3], $0xF7A  }
0x26: {  	[smem:$0x3F9C] =	sst s1;
	(tag) =	ssettag s2;
	_ =	strace s9  }
0x27: {  	s1 =	sld [smem:$0x3FAC]  }
0x28: {  	s2 =	sld [smem:$0x3FAD]  }
0x29: {  	s4 =	sld [smem:$0x3FAF]  }
0x2a: {  	p0 =	seq.s32 s5, $0x0;
	s5 =	sld [smem:$0x3FB0]  }
0x2b: {  	s6 =	sld [smem:$0x3FB1]  }
0x2c: {  	s7 =	sld [smem:$0x3FB2]  }
0x2d: {  	s3 =	simm.s32 $0x108;
	s8 =	sld [smem:$0x3FB3]  }
0x2e: {  	s3 =	simm.s32 @!p0 $0x1082;
	s9 =	sld [smem:$0x3FB4]  }
0x2f: {  	lr =	sadd.s32 s0, s3;
	s0 =	sld [smem:$0x3FAB]  }
0x30: {  	s3 =	sld [smem:$0x3FAE]  }
0x31: {  	[smem:$0x3FB7] =	sst s10  }
0x32: {  	s10 =	sld [smem:$0x3FB5];
	_ =	sdelay $0x3  }
0x33: {  	p0 =	seq.s32 s10, $0x1;
	s10 =	sld [smem:$0x3FB7];
	_ =	sdelay $0x3  }
0x34: {  	[smem:$0x3FB7] =	sst s10  }
0x35: {  	s10 =	sld [smem:$0x3FB6];
	_ =	sdelay $0x3  }
0x36: {  	p1 =	seq.s32 s10, $0x1;
	s10 =	sld [smem:$0x3FB7];
	_ =	sdelay $0x3  }
0x37: {  	[smem:$0x3FB7] =	sst s10  }
0x38: {  	s10 =	sld [smem:$0x3FB8]  }
0x39: {  	_ = 	snop;
	(pc) =	sbr.ind lr, $3  }
0x3a: {  	_ = 	snop  }
0x3b: {  	_ = 	snop  }
0x3c: {  	p2 =	seq.s32 s10, $0x1;
	s10 =	sld [smem:$0x3FB7]  }
0x3d: {  	_ =	shalt  }
0x3e: {  	_ =	shalt  }
0x3f: {  	_ =	shalt  }
0x40: {  	_ =	shalt  }
0x41: {  	_ =	shalt  }
0x42: {  	_ =	shalt  }
0x43: {  	_ =	shalt  }
0x44: {  	_ =	shalt  }
0x45: {  	_ =	shalt  }
0x46: {  	_ =	shalt  }
0x47: {  	_ =	shalt  }
0x48: {  	_ =	shalt  }
0x49: {  	_ =	shalt  }
0x4a: {  	_ =	shalt  }
0x4b: {  	_ =	shalt  }
0x4c: {  	_ =	shalt  }
0x4d: {  	_ =	shalt  }
0x4e: {  	_ =	shalt  }
0x4f: {  	_ =	shalt  }
0x50: {  	_ =	shalt  }
0x51: {  	_ =	shalt  }
0x52: {  	_ =	shalt  }
0x53: {  	_ =	shalt  }
0x54: {  	_ =	shalt  }
0x55: {  	_ =	shalt  }
0x56: {  	_ =	shalt  }
0x57: {  	_ =	shalt  }
0x58: {  	_ =	shalt  }
0x59: {  	_ =	shalt  }
0x5a: {  	_ =	shalt  }
0x5b: {  	_ =	shalt  }
0x5c: {  	_ =	shalt  }
0x5d: {  	_ =	shalt  }
0x5e: {  	_ =	shalt  }
0x5f: {  	_ =	shalt  }
0x60: {  	_ =	shalt  }
0x61: {  	_ =	shalt  }
0x62: {  	_ =	shalt  }
0x63: {  	_ =	shalt  }
0x64: {  	_ =	shalt  }
0x65: {  	_ =	shalt  }
0x66: {  	_ =	shalt  }
0x67: {  	_ =	shalt  }
0x68: {  	_ =	shalt  }
0x69: {  	_ =	shalt  }
0x6a: {  	_ =	shalt  }
0x6b: {  	_ =	shalt  }
0x6c: {  	_ =	shalt  }
0x6d: {  	_ =	shalt  }
0x6e: {  	_ =	shalt  }
0x6f: {  	_ =	shalt  }
0x70: {  	_ =	shalt  }
0x71: {  	_ =	shalt  }
0x72: {  	_ =	shalt  }
0x73: {  	_ =	shalt  }
0x74: {  	_ =	shalt  }
0x75: {  	_ =	shalt  }
0x76: {  	_ =	shalt  }
0x77: {  	_ =	shalt  }
0x78: {  	_ =	shalt  }
0x79: {  	_ =	shalt  }
0x7a: {  	_ =	shalt  }
0x7b: {  	_ =	shalt  }
0x7c: {  	_ =	shalt  }
0x7d: {  	_ =	shalt  }
0x7e: {  	_ =	shalt  }
0x7f: {  	_ =	shalt  }
0x80: {  	_ =	shalt  }
0x81: {  	_ =	shalt  }
0x82: {  	_ =	shalt  }
0x83: {  	_ =	shalt  }
0x84: {  	_ =	shalt  }
0x85: {  	_ =	shalt  }
0x86: {  	_ =	shalt  }
0x87: {  	_ =	shalt  }
.Lfunc_end0:
.L_simem_size_0:
called_computation_lowered:
.L_overlay_start_0:
0x88: {  	s2 =	sld [smem:$0x3FD9]  }
0x89: {  	s3 =	sld [smem:$0x3FFE];
	_ =	sdelay $0x1  }
0x8a: {  	s1 =	srdreg.scid  }
0x8b: {  	s0 =	sand.u32 $0x1, s1  }
0x8c: {  	s17 =	sshll.u32 s0, $0xA;
	s2 =	sadd.s32 s3, s2  }
0x8d: {  	s2 =	sadd.s32 s2, s17  }
0x8e: {  	[smem:$0x3FC3] =	sst s2  }
0x8f: {  	_ = 	snop  }
0x90: {  	s2 =	sld [smem:$0x3FC9]  }
0x91: {  	s18 =	sld [smem:$0x3FD0];
	(tm) =	ssettm $0x1  }
0x92: {  	s4 =	sld [smem:$0x3FFB];
	_ =	sdelay $0x3  }
0x93: {  	_ =	strace s4  }
0x94: {  	s4 =	sld [smem:$0x3FFC];
	_ =	sdelay $0x3  }
0x95: {  	_ =	strace s4  }
0x96: {  	s4 =	sld [smem:$0x3FFD];
	_ =	sdelay $0x3  }
0x97: {  	_ =	strace s4  }
0x98: {  	_ =	strace $0x8FFFFFFF  }
0x99: {  	s19 =	sld [smem:$0x3FDB];
	_ =	sdelay $0x1  }
0x9a: {  	s5 =	simm.s32 $_scs_section_size  }
0x9b: {  	s6 =	simm.s32 $_size__tile_overlayer_lowered;
	s7 =	simm.s32 $_tile_overlayer_lowered  }
0x9c: {  	s22 =	simm.s32 $0x1BFF;
	s21 =	sshll.u32 s7, $0x1;
	s4 =	sadd.s32 s5, s19  }
0x9d: {  	s8 =	simm.s32 $0x0;
	s20 =	sshll.u32 s6, $0x1;
	s6 =	sadd.s32 s21, s4  }
0x9e: {  	[timem:s8], [sflag:s22] =	dma.local [hbm:s6], s20  }
0x9f: {  	_ =	swait.ge [sflag:s22], s20  }
0xa0: {  	s5 =	ssub.s32 $0x0, s20;
	[sflag:s22] =	ssyncset.done $0x0  }
0xa1: {  	[sflag:s22] =	ssyncadd.s32 s5;
	_ =	sdelay $0x1  }
0xa2: {  	s23 =	simm.s32 $0x1B8B  }
0xa3: {  	_ =	swait.ge [sflag:s23], $0x1  }
0xa4: {  	[sflag:s23] =	ssyncset.done $0x0  }
0xa5: {  	s25 =	simm.s32 $0x1B8E;
	s24 =	sld [smem:$0x3FFE];
	[sflag:s23] =	ssyncadd.s32 $0xFFFFFFFF  }
0xa6: {  	s26 =	simm.s32 $execute0_lowered;
	[smem:$0x3FD2] =	sst s25  }
0xa7: {  	s6 =	sshll.u32 s26, $0x1;
	_ =	strace $0x80000046;
	[dreg:$0x1] =	wrdreg $0xFFFFFFFF  }
0xa8: {  	s28 =	simm.s32 $_size_execute0_lowered;
	s4 =	sadd.s32 s4, s6;
	[dreg:$0x0] =	wrdreg $0x0  }
0xa9: {  	s6 =	sshll.u32 s28, $0x1;
	[dreg:$0x2] =	wrdreg s4  }
0xaa: {  	[dreg:$0x3] =	wrdreg s6  }
0xab: {  	[dreg:$0x4] =	wrdreg $0xC0  }
0xac: {  	_ =	task [dreg:s8], $0x5FFFF  }
0xad: {  	[dreg:$0x1] =	wrdreg $0xFFFFFFFF  }
0xae: {  	[dreg:$0x0] =	wrdreg $0x60  }
0xaf: {  	[dreg:$0x2] =	wrdreg s2  }
0xb0: {  	[dreg:$0x3] =	wrdreg s18  }
0xb1: {  	[dreg:$0x4] =	wrdreg s24  }
0xb2: {  	[dreg:$0x5] =	wrdreg $0x9  }
0xb3: {  	_ =	task.clear_ibuf [dreg:s8], $0x6FFFF;
	_ =	strace $0x90000046  }
0xb4: {  	s29 =	simm.s32 $0x9;
	_ =	strace $0x80000048  }
0xb5: {  	_ =	swait.ge [sflag:s29], $0x1  }
0xb6: {  	[sflag:s29] =	ssyncadd.s32 $0xFFFFFFFF  }
0xb7: {  	_ =	strace $0x90000048  }
0xb8: {  	_ =	sfence  }
0xb9: {  	s30 =	sld [smem:$0x0];
	_ =	sdelay $0x2  }
0xba: {  	s31 =	sshll.u32 s1, $0xD;
	s1 =	sshrl.u32 s1, $0x2  }
0xbb: {  	s3 =	sand.u32 $0x4000, s31;
	s1 =	sadd.s32 s1, s30  }
0xbc: {  	s0 =	sor.u32 s3, s0;
	s1 =	sshll.u32 s1, $0x11  }
0xbd: {  	s0 =	sor.u32 s1, s0  }
0xbe: {  	s0 =	sadd.s32 $0x8F2B, s0  }
0xbf: {  	[sflag:s0] =	ssyncadd.remote.s32 $0x1  }
0xc0: {  	_ =	sfence.sel $0xFFFF  }
0xc1: {  	[dreg:$0x0] =	wrdreg $0xFFFFFFFF;
	(pc) =	sbr.abs _section_cstart, $3  }
0xc2: {  	[dreg:$0x1] =	wrdreg $0xFFFFFFFF  }
0xc3: {  	_ =	task.clear_ibuf [dreg:s8], $0x2FFFF;
	_ =	strace $0x9FFFFFFF  }
0xc4: {  	(tm) =	ssettm $0x7FFFFFFF  }
0xc5: {  	_ =	shalt  }
tec
execute0_lowered:
.L_overlay_start_1:
0x0: {  	(tag) =	ssettag $0x1  }
0x1: {  	s0 =	rddreg [dreg:$0x2];
	s3 =	simm.s32 $0x0  }
0x2: {  	s1 =	srdreg.scid;
	s5 =	stileid.u32;
	s13 =	simm.s32 $0x1  }
0x3: {  	s24 =	simm.s32 $0x1900;
	s7 =	simm.s32 $0x2100;
	s14 =	simm.s32 $0x2900  }
0x4: {  	s15 =	simm.s32 $0x3100;
	s16 =	simm.s32 $0x3900;
	s17 =	simm.s32 $0x4100  }
0x5: {  	s18 =	simm.s32 $0x4900;
	s19 =	simm.s32 $0x5100;
	s20 =	simm.s32 $0x5900  }
0x6: {  	s28 =	simm.s32 $0x7100;
	s29 =	simm.s32 $0x7900;
	s30 =	simm.s32 $0x8100  }
0x7: {  	s31 =	simm.s32 $0x8900;
	s11 =	simm.s32 $0xA100;
	s12 =	simm.s32 $0xB900  }
0x8: {  	[smem:$0x7FF] =	sst s3;
	s1 =	sand.u32 $0x1, s1;
	s2 =	sadd.s32 $0x20400, s0  }
0x9: {  	s5 =	sshll.u32 s5, $0x8;
	s6 =	sadd.s32 $0x20600, s0;
	s8 =	sadd.s32 $0x20700, s0  }
0xa: {  	s9 =	sadd.s32 $0x20800, s0;
	s10 =	sadd.s32 $0x20900, s0;
	s0 =	simm.s32 $0x0  }
0xb: {  	_ =	strace $0x80000047;
	s25 =	ssub.s32 $0x2, s1;
	s1 =	sshll.u32 s1, $0x7  }
0xc: {  	[dreg:$0x4] =	wrdreg s2;
	s4 =	sshrl.u32 s25, $0x1;
	s1 =	sor.u32 s1, s5  }
0xd: {  	v2 =	vlaneseq.u32;
	s2 =	ssub.s32 s25, s4;
	[dreg:$0x5] =	wrdreg s1;
	s1 =	simm.s32 $0x100  }
0xe: {  	vm0 =	vmmov $0xffff;
	v1 =	vshrl.u32 v2, $0x3;
	s25 =	simm.s32 $0x6100;
	s4 =	simm.s32 $0x9900;
	s26 =	smax.u32 s2, $0x1  }
0xf: {  	v0 =	vand.u32 $0x7, v2;
	v2 =	vor.u32 $0x8, v2;
	v1 =	vmul.u32 $0x8, v1;
	s2 =	simm.s32 $0xB100;
	[dreg:$0x6] =	wrdreg s26;
	s26 =	simm.s32 $0x6900  }
.LBB2_1:
0x10: {  	[dreg:$0x7] =	wrdreg s0;
	p0 =	por $0x1, $0x1;
	s21 =	simm.s32 $0x0  }
.LBB2_2:
0x11: {  	s5 =	rddreg [dreg:$0x5]  }
0x12: {  	s21 =	sor.u32 s5, s21  }
0x13: {  	s23 =	rddreg [dreg:$0x0];
	s22 =	sshll.u32 s21, $0x7  }
0x14: {  	s22 =	sadd.s32 s23, s22  }
0x15: {  	[tilespmem:s1], [sflag:$0x1] =	stream.linear.gather [hbm4b:s22+s3], $0x10000, $0x38;
	[tilespmem:$0x10100] =	vst v63  }
0x16: {  	_ =	swait.ge [sflag:s13], $0x10000  }
0x17: {  	[sflag:s13] =	ssyncset.done $0x0  }
0x18: {  	[sflag:s13] =	ssyncadd.s32 $0xFFFF0000  }
0x19: {  	s21 =	sshrl.u32 s21, $0x3;
	s5 =	rddreg [dreg:$0x1]  }
0x1a: {  	s22 =	sadd.s32 s5, s21  }
0x1b: {  	[tilespmem:s3], [sflag:$0x1] =	stream.linear.gather [hbm4b:s22+s3], $0x40, $0x38;
	[tilespmem:$0x10100] =	vst v63  }
0x1c: {  	_ =	swait.ge [sflag:s13], $0x40  }
0x1d: {  	[sflag:s13] =	ssyncset.done $0x0  }
0x1e: {  	[sflag:s13] =	ssyncadd.s32 $0xFFFFFFC0  }
0x1f: {  	v3 =	vld [tilespmem:$0x0];
	_ =	sdelay $0x4  }
0x20: {  	v4 =	vshll.u32 v3, $0x3  }
0x21: {  	v3 =	vand.u32 $0x7, v3;
	v4 =	vand.u32 $0xFFFFFFC0, v4  }
0x22: {  	v3 =	vor.u32 v3, v4  }
0x23: {  	v4 =	vperm.xlane v3, v0;
	_ =	sdelay $0x1  }
0x24: {  	v4 =	vadd.s32 v1, v4;
	_ =	sdelay $0x4  }
0x25: {  	[hbm4b:s6+s3] =	stream.indirect_vreg.scatter [tilespmem:s1], [sflag:$0x1], $0x80, v4, vm0, $0xb8;
	[tilespmem:$0x10100] =	vst v63  }
0x26: {  	s23 =	simm.s32 $0x900;
	v3 =	vperm.xlane v3, v2  }
0x27: {  	[hbm4b:s8+s3] =	stream.indirect_vreg.scatter [tilespmem:s23], [sflag:$0x1], $0x80, v4, vm0, $0xb8;
	[tilespmem:$0x10100] =	vst v63  }
0x28: {  	s5 =	simm.s32 $0x1100;
	v3 =	vadd.s32 v1, v3  }
0x29: {  	[hbm4b:s9+s3] =	stream.indirect_vreg.scatter [tilespmem:s5], [sflag:$0x1], $0x80, v4, vm0, $0xb8;
	[tilespmem:$0x10100] =	vst v63  }
0x2a: {  	_ = 	snop  }
0x2b: {  	[hbm4b:s10+s3] =	stream.indirect_vreg.scatter [tilespmem:s24], [sflag:$0x1], $0x80, v4, vm0, $0xb8;
	[tilespmem:$0x10100] =	vst v63  }
0x2c: {  	_ = 	snop  }
0x2d: {  	[hbm4b:s6+s3] =	stream.indirect_vreg.scatter [tilespmem:s7], [sflag:$0x1], $0x80, v3, vm0, $0xb8;
	[tilespmem:$0x10100] =	vst v63  }
0x2e: {  	_ = 	snop  }
0x2f: {  	[hbm4b:s8+s3] =	stream.indirect_vreg.scatter [tilespmem:s14], [sflag:$0x1], $0x80, v3, vm0, $0xb8;
	[tilespmem:$0x10100] =	vst v63  }
0x30: {  	_ = 	snop  }
0x31: {  	[hbm4b:s9+s3] =	stream.indirect_vreg.scatter [tilespmem:s15], [sflag:$0x1], $0x80, v3, vm0, $0xb8;
	[tilespmem:$0x10100] =	vst v63  }
0x32: {  	_ = 	snop  }
0x33: {  	[hbm4b:s10+s3] =	stream.indirect_vreg.scatter [tilespmem:s16], [sflag:$0x1], $0x80, v3, vm0, $0xb8;
	[tilespmem:$0x10100] =	vst v63  }
0x34: {  	v3 =	vld [tilespmem:$0x10];
	_ =	sdelay $0x4  }
0x35: {  	v57 =	vshll.u32 v3, $0x3  }
0x36: {  	v3 =	vand.u32 $0x7, v3;
	v4 =	vand.u32 $0xFFFFFFC0, v57  }
0x37: {  	v3 =	vor.u32 v3, v4  }
0x38: {  	v4 =	vperm.xlane v3, v0;
	_ =	sdelay $0x1  }
0x39: {  	v4 =	vadd.s32 v1, v4;
	_ =	sdelay $0x4  }
0x3a: {  	[hbm4b:s6+s3] =	stream.indirect_vreg.scatter [tilespmem:s17], [sflag:$0x1], $0x80, v4, vm0, $0xb8;
	[tilespmem:$0x10100] =	vst v63  }
0x3b: {  	v3 =	vperm.xlane v3, v2  }
0x3c: {  	[hbm4b:s8+s3] =	stream.indirect_vreg.scatter [tilespmem:s18], [sflag:$0x1], $0x80, v4, vm0, $0xb8;
	[tilespmem:$0x10100] =	vst v63  }
0x3d: {  	v3 =	vadd.s32 v1, v3  }
0x3e: {  	[hbm4b:s9+s3] =	stream.indirect_vreg.scatter [tilespmem:s19], [sflag:$0x1], $0x80, v4, vm0, $0xb8;
	[tilespmem:$0x10100] =	vst v63  }
0x3f: {  	_ = 	snop  }
0x40: {  	[hbm4b:s10+s3] =	stream.indirect_vreg.scatter [tilespmem:s20], [sflag:$0x1], $0x80, v4, vm0, $0xb8;
	[tilespmem:$0x10100] =	vst v63  }
0x41: {  	_ = 	snop  }
0x42: {  	[hbm4b:s6+s3] =	stream.indirect_vreg.scatter [tilespmem:s25], [sflag:$0x1], $0x80, v3, vm0, $0xb8;
	[tilespmem:$0x10100] =	vst v63  }
0x43: {  	_ = 	snop  }
0x44: {  	[hbm4b:s8+s3] =	stream.indirect_vreg.scatter [tilespmem:s26], [sflag:$0x1], $0x80, v3, vm0, $0xb8;
	[tilespmem:$0x10100] =	vst v63  }
0x45: {  	_ = 	snop  }
0x46: {  	[hbm4b:s9+s3] =	stream.indirect_vreg.scatter [tilespmem:s28], [sflag:$0x1], $0x80, v3, vm0, $0xb8;
	[tilespmem:$0x10100] =	vst v63  }
0x47: {  	_ = 	snop  }
0x48: {  	[hbm4b:s10+s3] =	stream.indirect_vreg.scatter [tilespmem:s29], [sflag:$0x1], $0x80, v3, vm0, $0xb8;
	[tilespmem:$0x10100] =	vst v63  }
0x49: {  	v3 =	vld [tilespmem:$0x20];
	_ =	sdelay $0x4  }
0x4a: {  	v58 =	vshll.u32 v3, $0x3  }
0x4b: {  	v3 =	vand.u32 $0x7, v3;
	v4 =	vand.u32 $0xFFFFFFC0, v58  }
0x4c: {  	v3 =	vor.u32 v3, v4  }
0x4d: {  	v4 =	vperm.xlane v3, v0;
	_ =	sdelay $0x1  }
0x4e: {  	v4 =	vadd.s32 v1, v4;
	_ =	sdelay $0x4  }
0x4f: {  	[hbm4b:s6+s3] =	stream.indirect_vreg.scatter [tilespmem:s30], [sflag:$0x1], $0x80, v4, vm0, $0xb8;
	[tilespmem:$0x10100] =	vst v63  }
0x50: {  	v3 =	vperm.xlane v3, v2  }
0x51: {  	[hbm4b:s8+s3] =	stream.indirect_vreg.scatter [tilespmem:s31], [sflag:$0x1], $0x80, v4, vm0, $0xb8;
	[tilespmem:$0x10100] =	vst v63  }
0x52: {  	s0 =	simm.s32 $0x9100;
	v3 =	vadd.s32 v1, v3  }
0x53: {  	[hbm4b:s9+s3] =	stream.indirect_vreg.scatter [tilespmem:s0], [sflag:$0x1], $0x80, v4, vm0, $0xb8;
	[tilespmem:$0x10100] =	vst v63  }
0x54: {  	_ = 	snop  }
0x55: {  	[hbm4b:s10+s3] =	stream.indirect_vreg.scatter [tilespmem:s4], [sflag:$0x1], $0x80, v4, vm0, $0xb8;
	[tilespmem:$0x10100] =	vst v63  }
0x56: {  	_ = 	snop  }
0x57: {  	[hbm4b:s6+s3] =	stream.indirect_vreg.scatter [tilespmem:s11], [sflag:$0x1], $0x80, v3, vm0, $0xb8;
	[tilespmem:$0x10100] =	vst v63  }
0x58: {  	s1 =	simm.s32 $0xA900  }
0x59: {  	[hbm4b:s8+s3] =	stream.indirect_vreg.scatter [tilespmem:s1], [sflag:$0x1], $0x80, v3, vm0, $0xb8;
	[tilespmem:$0x10100] =	vst v63  }
0x5a: {  	_ = 	snop  }
0x5b: {  	[hbm4b:s9+s3] =	stream.indirect_vreg.scatter [tilespmem:s2], [sflag:$0x1], $0x80, v3, vm0, $0xb8;
	[tilespmem:$0x10100] =	vst v63  }
0x5c: {  	_ = 	snop  }
0x5d: {  	[hbm4b:s10+s3] =	stream.indirect_vreg.scatter [tilespmem:s12], [sflag:$0x1], $0x80, v3, vm0, $0xb8;
	[tilespmem:$0x10100] =	vst v63  }
0x5e: {  	v3 =	vld [tilespmem:$0x30];
	_ =	sdelay $0x4  }
0x5f: {  	v59 =	vshll.u32 v3, $0x3  }
0x60: {  	v3 =	vand.u32 $0x7, v3;
	v4 =	vand.u32 $0xFFFFFFC0, v59  }
0x61: {  	v3 =	vor.u32 v3, v4  }
0x62: {  	v4 =	vperm.xlane v3, v0;
	_ =	sdelay $0x1  }
0x63: {  	v4 =	vadd.s32 v1, v4;
	_ =	sdelay $0x3  }
0x64: {  	s22 =	simm.s32 $0xC100  }
0x65: {  	[hbm4b:s6+s3] =	stream.indirect_vreg.scatter [tilespmem:s22], [sflag:$0x1], $0x80, v4, vm0, $0xb8;
	[tilespmem:$0x10100] =	vst v63  }
0x66: {  	v3 =	vperm.xlane v3, v2;
	s22 =	simm.s32 $0xC900  }
0x67: {  	[hbm4b:s8+s3] =	stream.indirect_vreg.scatter [tilespmem:s22], [sflag:$0x1], $0x80, v4, vm0, $0xb8;
	[tilespmem:$0x10100] =	vst v63  }
0x68: {  	v3 =	vadd.s32 v1, v3;
	s22 =	simm.s32 $0xD100  }
0x69: {  	[hbm4b:s9+s3] =	stream.indirect_vreg.scatter [tilespmem:s22], [sflag:$0x1], $0x80, v4, vm0, $0xb8;
	[tilespmem:$0x10100] =	vst v63  }
0x6a: {  	s22 =	simm.s32 $0xD900  }
0x6b: {  	[hbm4b:s10+s3] =	stream.indirect_vreg.scatter [tilespmem:s22], [sflag:$0x1], $0x80, v4, vm0, $0xb8;
	[tilespmem:$0x10100] =	vst v63  }
0x6c: {  	s22 =	simm.s32 $0xE100  }
0x6d: {  	[hbm4b:s6+s3] =	stream.indirect_vreg.scatter [tilespmem:s22], [sflag:$0x1], $0x80, v3, vm0, $0xb8;
	[tilespmem:$0x10100] =	vst v63  }
0x6e: {  	s22 =	simm.s32 $0xE900  }
0x6f: {  	[hbm4b:s8+s3] =	stream.indirect_vreg.scatter [tilespmem:s22], [sflag:$0x1], $0x80, v3, vm0, $0xb8;
	[tilespmem:$0x10100] =	vst v63  }
0x70: {  	s22 =	simm.s32 $0xF100  }
0x71: {  	[hbm4b:s9+s3] =	stream.indirect_vreg.scatter [tilespmem:s22], [sflag:$0x1], $0x80, v3, vm0, $0xb8;
	[tilespmem:$0x10100] =	vst v63  }
0x72: {  	s22 =	simm.s32 $0xF900  }
0x73: {  	[hbm4b:s10+s3] =	stream.indirect_vreg.scatter [tilespmem:s22], [sflag:$0x1], $0x80, v3, vm0, $0xb8;
	[tilespmem:$0x10100] =	vst v63  }
0x74: {  	_ =	swait.ge [sflag:s13], $0x10000  }
0x75: {  	[sflag:s13] =	ssyncset.done $0x0;
	s22 =	rddreg [dreg:$0x4]  }
0x76: {  	[sflag:s13] =	ssyncadd.s32 $0xFFFF0000;
	s21 =	sadd.s32 s22, s21;
	s22 =	simm.s32 $0x80  }
0x77: {  	[tilespmem:s22], [sflag:$0x1] =	stream.linear.gather [hbm4b:s21+s3], $0x40, $0x38;
	[tilespmem:$0x10100] =	vst v63  }
0x78: {  	_ =	swait.ge [sflag:s13], $0x40  }
0x79: {  	[sflag:s13] =	ssyncset.done $0x0  }
0x7a: {  	[sflag:s13] =	ssyncadd.s32 $0xFFFFFFC0  }
0x7b: {  	v3 =	vld [tilespmem:$0x80];
	_ =	sdelay $0x4  }
0x7c: {  	v60 =	vshll.u32 v3, $0x3  }
0x7d: {  	v3 =	vand.u32 $0x7, v3;
	v4 =	vand.u32 $0xFFFFFFC0, v60  }
0x7e: {  	v3 =	vor.u32 v3, v4  }
0x7f: {  	v4 =	vperm.xlane v3, v0;
	_ =	sdelay $0x1  }
0x80: {  	v4 =	vadd.s32 v1, v4;
	_ =	sdelay $0x3  }
0x81: {  	s0 =	simm.s32 $0x100  }
0x82: {  	[hbm4b:s6+s3] =	stream.indirect_vreg.scatter [tilespmem:s0], [sflag:$0x1], $0x80, v4, vm0, $0xb8;
	[tilespmem:$0x10100] =	vst v63  }
0x83: {  	v3 =	vperm.xlane v3, v2  }
0x84: {  	[hbm4b:s8+s3] =	stream.indirect_vreg.scatter [tilespmem:s23], [sflag:$0x1], $0x80, v4, vm0, $0xb8;
	[tilespmem:$0x10100] =	vst v63  }
0x85: {  	v3 =	vadd.s32 v1, v3  }
0x86: {  	[hbm4b:s9+s3] =	stream.indirect_vreg.scatter [tilespmem:s5], [sflag:$0x1], $0x80, v4, vm0, $0xb8;
	[tilespmem:$0x10100] =	vst v63  }
0x87: {  	_ = 	snop  }
0x88: {  	[hbm4b:s10+s3] =	stream.indirect_vreg.scatter [tilespmem:s24], [sflag:$0x1], $0x80, v4, vm0, $0xb8;
	[tilespmem:$0x10100] =	vst v63  }
0x89: {  	_ = 	snop  }
0x8a: {  	[hbm4b:s6+s3] =	stream.indirect_vreg.scatter [tilespmem:s7], [sflag:$0x1], $0x80, v3, vm0, $0xb8;
	[tilespmem:$0x10100] =	vst v63  }
0x8b: {  	_ = 	snop  }
0x8c: {  	[hbm4b:s8+s3] =	stream.indirect_vreg.scatter [tilespmem:s14], [sflag:$0x1], $0x80, v3, vm0, $0xb8;
	[tilespmem:$0x10100] =	vst v63  }
0x8d: {  	_ = 	snop  }
0x8e: {  	[hbm4b:s9+s3] =	stream.indirect_vreg.scatter [tilespmem:s15], [sflag:$0x1], $0x80, v3, vm0, $0xb8;
	[tilespmem:$0x10100] =	vst v63  }
0x8f: {  	_ = 	snop  }
0x90: {  	[hbm4b:s10+s3] =	stream.indirect_vreg.scatter [tilespmem:s16], [sflag:$0x1], $0x80, v3, vm0, $0xb8;
	[tilespmem:$0x10100] =	vst v63  }
0x91: {  	v3 =	vld [tilespmem:$0x90];
	_ =	sdelay $0x4  }
0x92: {  	v61 =	vshll.u32 v3, $0x3  }
0x93: {  	v3 =	vand.u32 $0x7, v3;
	v4 =	vand.u32 $0xFFFFFFC0, v61  }
0x94: {  	v3 =	vor.u32 v3, v4  }
0x95: {  	v4 =	vperm.xlane v3, v0;
	_ =	sdelay $0x1  }
0x96: {  	v4 =	vadd.s32 v1, v4;
	_ =	sdelay $0x4  }
0x97: {  	[hbm4b:s6+s3] =	stream.indirect_vreg.scatter [tilespmem:s17], [sflag:$0x1], $0x80, v4, vm0, $0xb8;
	[tilespmem:$0x10100] =	vst v63  }
0x98: {  	v3 =	vperm.xlane v3, v2  }
0x99: {  	[hbm4b:s8+s3] =	stream.indirect_vreg.scatter [tilespmem:s18], [sflag:$0x1], $0x80, v4, vm0, $0xb8;
	[tilespmem:$0x10100] =	vst v63  }
0x9a: {  	v3 =	vadd.s32 v1, v3  }
0x9b: {  	[hbm4b:s9+s3] =	stream.indirect_vreg.scatter [tilespmem:s19], [sflag:$0x1], $0x80, v4, vm0, $0xb8;
	[tilespmem:$0x10100] =	vst v63  }
0x9c: {  	_ = 	snop  }
0x9d: {  	[hbm4b:s10+s3] =	stream.indirect_vreg.scatter [tilespmem:s20], [sflag:$0x1], $0x80, v4, vm0, $0xb8;
	[tilespmem:$0x10100] =	vst v63  }
0x9e: {  	_ = 	snop  }
0x9f: {  	[hbm4b:s6+s3] =	stream.indirect_vreg.scatter [tilespmem:s25], [sflag:$0x1], $0x80, v3, vm0, $0xb8;
	[tilespmem:$0x10100] =	vst v63  }
0xa0: {  	_ = 	snop  }
0xa1: {  	[hbm4b:s8+s3] =	stream.indirect_vreg.scatter [tilespmem:s26], [sflag:$0x1], $0x80, v3, vm0, $0xb8;
	[tilespmem:$0x10100] =	vst v63  }
0xa2: {  	_ = 	snop  }
0xa3: {  	[hbm4b:s9+s3] =	stream.indirect_vreg.scatter [tilespmem:s28], [sflag:$0x1], $0x80, v3, vm0, $0xb8;
	[tilespmem:$0x10100] =	vst v63  }
0xa4: {  	_ = 	snop  }
0xa5: {  	[hbm4b:s10+s3] =	stream.indirect_vreg.scatter [tilespmem:s29], [sflag:$0x1], $0x80, v3, vm0, $0xb8;
	[tilespmem:$0x10100] =	vst v63  }
0xa6: {  	v3 =	vld [tilespmem:$0xA0];
	_ =	sdelay $0x4  }
0xa7: {  	v62 =	vshll.u32 v3, $0x3  }
0xa8: {  	v3 =	vand.u32 $0x7, v3;
	v4 =	vand.u32 $0xFFFFFFC0, v62  }
0xa9: {  	v3 =	vor.u32 v3, v4  }
0xaa: {  	v4 =	vperm.xlane v3, v0;
	_ =	sdelay $0x1  }
0xab: {  	v4 =	vadd.s32 v1, v4;
	_ =	sdelay $0x4  }
0xac: {  	[hbm4b:s6+s3] =	stream.indirect_vreg.scatter [tilespmem:s30], [sflag:$0x1], $0x80, v4, vm0, $0xb8;
	[tilespmem:$0x10100] =	vst v63  }
0xad: {  	v3 =	vperm.xlane v3, v2  }
0xae: {  	[hbm4b:s8+s3] =	stream.indirect_vreg.scatter [tilespmem:s31], [sflag:$0x1], $0x80, v4, vm0, $0xb8;
	[tilespmem:$0x10100] =	vst v63  }
0xaf: {  	s23 =	simm.s32 $0x9100;
	v3 =	vadd.s32 v1, v3  }
0xb0: {  	[hbm4b:s9+s3] =	stream.indirect_vreg.scatter [tilespmem:s23], [sflag:$0x1], $0x80, v4, vm0, $0xb8;
	[tilespmem:$0x10100] =	vst v63  }
0xb1: {  	_ = 	snop  }
0xb2: {  	[hbm4b:s10+s3] =	stream.indirect_vreg.scatter [tilespmem:s4], [sflag:$0x1], $0x80, v4, vm0, $0xb8;
	[tilespmem:$0x10100] =	vst v63  }
0xb3: {  	_ = 	snop  }
0xb4: {  	[hbm4b:s6+s3] =	stream.indirect_vreg.scatter [tilespmem:s11], [sflag:$0x1], $0x80, v3, vm0, $0xb8;
	[tilespmem:$0x10100] =	vst v63  }
0xb5: {  	_ = 	snop  }
0xb6: {  	[hbm4b:s8+s3] =	stream.indirect_vreg.scatter [tilespmem:s1], [sflag:$0x1], $0x80, v3, vm0, $0xb8;
	[tilespmem:$0x10100] =	vst v63  }
0xb7: {  	_ = 	snop  }
0xb8: {  	[hbm4b:s9+s3] =	stream.indirect_vreg.scatter [tilespmem:s2], [sflag:$0x1], $0x80, v3, vm0, $0xb8;
	[tilespmem:$0x10100] =	vst v63  }
0xb9: {  	_ = 	snop  }
0xba: {  	[hbm4b:s10+s3] =	stream.indirect_vreg.scatter [tilespmem:s12], [sflag:$0x1], $0x80, v3, vm0, $0xb8;
	[tilespmem:$0x10100] =	vst v63  }
0xbb: {  	v3 =	vld [tilespmem:$0xB0];
	_ =	sdelay $0x4  }
0xbc: {  	v63 =	vshll.u32 v3, $0x3  }
0xbd: {  	v3 =	vand.u32 $0x7, v3;
	v4 =	vand.u32 $0xFFFFFFC0, v63  }
0xbe: {  	v3 =	vor.u32 v3, v4  }
0xbf: {  	v4 =	vperm.xlane v3, v0;
	_ =	sdelay $0x1  }
0xc0: {  	v4 =	vadd.s32 v1, v4;
	_ =	sdelay $0x3  }
0xc1: {  	s5 =	simm.s32 $0xC100  }
0xc2: {  	[hbm4b:s6+s3] =	stream.indirect_vreg.scatter [tilespmem:s5], [sflag:$0x1], $0x80, v4, vm0, $0xb8;
	[tilespmem:$0x10100] =	vst v63  }
0xc3: {  	s21 =	simm.s32 $0xC900;
	v3 =	vperm.xlane v3, v2  }
0xc4: {  	[hbm4b:s8+s3] =	stream.indirect_vreg.scatter [tilespmem:s21], [sflag:$0x1], $0x80, v4, vm0, $0xb8;
	[tilespmem:$0x10100] =	vst v63  }
0xc5: {  	s22 =	simm.s32 $0xD100;
	v3 =	vadd.s32 v1, v3  }
0xc6: {  	[hbm4b:s9+s3] =	stream.indirect_vreg.scatter [tilespmem:s22], [sflag:$0x1], $0x80, v4, vm0, $0xb8;
	[tilespmem:$0x10100] =	vst v63  }
0xc7: {  	s23 =	simm.s32 $0xD900  }
0xc8: {  	[hbm4b:s10+s3] =	stream.indirect_vreg.scatter [tilespmem:s23], [sflag:$0x1], $0x80, v4, vm0, $0xb8;
	[tilespmem:$0x10100] =	vst v63  }
0xc9: {  	s5 =	simm.s32 $0xE100  }
0xca: {  	[hbm4b:s6+s3] =	stream.indirect_vreg.scatter [tilespmem:s5], [sflag:$0x1], $0x80, v3, vm0, $0xb8;
	[tilespmem:$0x10100] =	vst v63  }
0xcb: {  	s21 =	simm.s32 $0xE900  }
0xcc: {  	[hbm4b:s8+s3] =	stream.indirect_vreg.scatter [tilespmem:s21], [sflag:$0x1], $0x80, v3, vm0, $0xb8;
	[tilespmem:$0x10100] =	vst v63  }
0xcd: {  	p1 =	por p0, p0;
	s22 =	simm.s32 $0xF100  }
0xce: {  	[hbm4b:s9+s3] =	stream.indirect_vreg.scatter [tilespmem:s22], [sflag:$0x1], $0x80, v3, vm0, $0xb8;
	[tilespmem:$0x10100] =	vst v63  }
.Ltmp0:
0xcf: {  	s23 =	simm.s32 $0xF900;
	(pc) =	sbr.rel @p1 .LBB2_2-.Ltmp0, $4  }
0xd0: {  	[hbm4b:s10+s3] =	stream.indirect_vreg.scatter [tilespmem:s23], [sflag:$0x1], $0x80, v3, vm0, $0xb8;
	[tilespmem:$0x10100] =	vst v63  }
0xd1: {  	_ =	swait.ge [sflag:s13], $0x10000  }
0xd2: {  	p0 =	por $0x0, $0x0;
	[sflag:s13] =	ssyncset.done $0x0  }
0xd3: {  	s1 =	simm.s32 $0x100;
	s21 =	simm.s32 $0x40;
	[sflag:s13] =	ssyncadd.s32 $0xFFFF0000  }
0xd4: {  	s0 =	rddreg [dreg:$0x7]  }
0xd5: {  	s21 =	rddreg [dreg:$0x6];
	s0 =	sadd.s32 $0x1, s0  }
0xd6: {  	p0 =	sne.s32 s0, s21  }
.Ltmp1:
0xd7: {  	_ = 	snop;
	(pc) =	sbr.rel @p0 .LBB2_1-.Ltmp1, $1  }
0xd8: {  	_ =	sdelay $0x3  }
0xd9: {  	_ =	sfence.sel $0x180000  }
0xda: {  	[bflag:$0x0] =	sbarrier.arrive $0xFFFF  }
0xdb: {  	_ =	strace $0x90000047  }
0xdc: {  	s0 =	stileid.u32;
	[bflag:$0x2] =	sbarrier.arrive $0xFFFF  }
0xdd: {  	p0 =	sne.s32 s0, $0x0;
	s0 =	rddreg [dreg:$0x3]  }
0xde: {  	s0 =	sadd.s32 @!p0 $0x100000, s0  }
0xdf: {  	[sflag:s0] =	ssyncadd.tile.s32 @!p0 $0x1;
	_ =	shalt  }
.Lfunc_end2:
_tile_overlayer_lowered:
.L_overlay_start_2:
0xe0: {  	(tag) =	ssettag $0x2  }
0xe1: {  	s0 =	rddreg [dreg:$0x0];
	s2 =	stileid.u32  }
0xe2: {  	s1 =	rddreg [dreg:$0x1];
	p0 =	sne.s32 s2, $0x0  }
0xe3: {  	s3 =	rddreg [dreg:$0x2];
	[bflag:$0x3] =	sbarrier.arrive $0xFFFF;
	s2 =	simm.s32 @!p0 $0x1C01  }
0xe4: {  	[timem:s3], [sflag:s2] =	dma.local @!p0 [hbm:s0], s1  }
0xe5: {  	s0 =	simm.s32 @!p0 $0x1  }
0xe6: {  	_ =	swait.ge @!p0 [sflag:s0], s1  }
0xe7: {  	s1 =	ssub.s32 @!p0 $0x0, s1;
	[sflag:s0] =	ssyncset.done @!p0 $0x0  }
0xe8: {  	[sflag:s0] =	ssyncadd.s32 @!p0 s1  }
0xe9: {  	[bflag:$0x3] =	sbarrier.arrive $0xFFFF  }
0xea: {  	_ =	shalt  }

</sc_bundles>
